<compile_context>
chip_gen: v7x
topology: tpu7x:2x2x1
jax: 0.10.2.dev20260603
libtpu: 0.0.44.dev20260713+nightly
codegen_flags: <defaults>
</compile_context>

<pallas_src>
import functools
import math

import jax
import jax.numpy as jnp
from jax import lax
from jax.experimental import pallas as pl
from jax.experimental.pallas import tpu as pltpu
from jax.experimental.pallas import tpu_sc as plsc

_NC = 2
_NS = 16
_NW = _NC * _NS

_CHUNK = 128
_GB = 8


def _gather_body(table_hbm, idx_hbm, out_hbm, idx_v, rows_v, sem):
    wid = lax.axis_index("s") * _NC + lax.axis_index("c")
    n_chunks = idx_hbm.shape[0]
    per_w = n_chunks // _NW

    def step(i, carry):
        base = wid * per_w + i * _GB
        pltpu.sync_copy(idx_hbm.at[pl.ds(base, _GB)], idx_v)
        copies = [
            pltpu.async_copy(table_hbm.at[idx_v.at[j]], rows_v.at[j], sem)
            for j in range(_GB)
        ]
        for c in copies:
            c.wait()
        pltpu.sync_copy(rows_v, out_hbm.at[pl.ds(base, _GB)])
        return carry

    lax.fori_loop(0, per_w // _GB, step, 0)


def _make_gather(n_chunks, embed):
    mesh = plsc.VectorSubcoreMesh(
        core_axis_name="c", subcore_axis_name="s",
        num_cores=_NC, num_subcores=_NS,
    )
    return pl.kernel(
        _gather_body,
        out_type=jax.ShapeDtypeStruct((n_chunks, _CHUNK, embed), jnp.float32),
        mesh=mesh,
        scratch_types=[
            pltpu.VMEM((_GB, _CHUNK), jnp.int32),
            pltpu.VMEM((_GB, _CHUNK, embed), jnp.float32),
            pltpu.SemaphoreType.DMA,
        ],
        compiler_params=pltpu.CompilerParams(use_tc_tiling_on_sc=False),
    )


_LB = 8


def _proj_body(e_ref, wt_ref, b_ref, out_ref):
    rows_per_l = e_ref.shape[0] // _LB
    for m in range(_LB):
        e = e_ref[pl.ds(m * rows_per_l, rows_per_l), :]
        parts = []
        for k in range(4):
            ek = e[:, 32 * k:32 * (k + 1)]
            ok = lax.dot_general(
                wt_ref[...], ek,
                dimension_numbers=(((1,), (1,)), ((), ())),
                preferred_element_type=jnp.float32,
            )
            parts.append(ok)
        out_ref[m] = jnp.concatenate(parts, axis=1) + b_ref[...]


def _proj(emb_pk, wt, b8, hist, batch):
    rows = emb_pk.shape[0]
    rows_per_l = rows // hist
    d = wt.shape[0]
    return pl.pallas_call(
        _proj_body,
        grid=(hist // _LB,),
        in_specs=[
            pl.BlockSpec((_LB * rows_per_l, 128), lambda i: (i, 0)),
            pl.BlockSpec((d, 32), lambda i: (0, 0)),
            pl.BlockSpec((d, 1), lambda i: (0, 0)),
        ],
        out_specs=pl.BlockSpec((_LB, d, batch), lambda i: (i, 0, 0)),
        out_shape=jax.ShapeDtypeStruct((hist, d, batch), jnp.float32),
        compiler_params=pltpu.CompilerParams(
            dimension_semantics=("arbitrary",),
        ),
    )(emb_pk, wt, b8)


def kernel(x, table, W, b):
    batch, hist = x.shape
    n = batch * hist
    embed = table.shape[1]
    d_model = W.shape[1]
    scale = math.sqrt(float(d_model))
    quarter = batch // 4

    xp = x.T.reshape(hist, 4, quarter).transpose(0, 2, 1)
    idx = xp.reshape(n // _CHUNK, _CHUNK).astype(jnp.int32)
    emb = _make_gather(n // _CHUNK, embed)(table, idx)

    emb_pk = emb.reshape(n // 4, 128)

    wt = (W * scale).T
    b8 = (b * scale).reshape(d_model, 1)
    out3 = _proj(emb_pk, wt, b8, hist, batch)
    return jnp.transpose(out3, (2, 0, 1))

# --- scband reference (transcript-rebuilt; emitter-appended) ---
"""Pipeline reference for scband-embeddings-64269890617564 (READ-ONLY COPY).

The authoritative reference and input builder live on the scoring server;
editing this copy changes nothing except your own understanding.
"""

import jax, jax.numpy as jnp
import numpy as np
import math

VOCAB = 1000000
EMBED_SIZE = 32
D_MODEL = 64
BATCH = 4096
HIST = 200

def setup_inputs(seed: int = 0) -> dict:
    key = jax.random.key(seed)
    k1, k2, k3, k4 = jax.random.split(key, 4)
    x = jax.random.randint(k1, (BATCH, HIST), 0, VOCAB)
    table = jax.random.normal(k2, (VOCAB, EMBED_SIZE), dtype=jnp.float32) * 0.02
    W = jax.random.normal(k3, (EMBED_SIZE, D_MODEL), dtype=jnp.float32) * (1.0 / math.sqrt(EMBED_SIZE))
    b = jnp.zeros((D_MODEL,), dtype=jnp.float32)
    return {"x": x, "table": table, "W": W, "b": b}

def reference(x, table, W, b):
    # nn.Embedding lookup -> gather rows from table
    emb = jnp.take(table, x, axis=0)          # [B, L, embed_size]
    # nn.Linear(embed_size, d_model)
    proj = jnp.einsum('ble,ed->bld', emb, W) + b  # [B, L, d_model]
    # scale by sqrt(d_model)
    return proj * math.sqrt(float(D_MODEL))

if __name__ == "__main__":
    import jax
    _d = setup_inputs()
    print(jax.jit(kernel)(*tuple(_d.values())))

</pallas_src>

<mosaic_0001>
#map = affine_map<(d0, d1) -> (0, 0)>
#map1 = affine_map<(d0, d1) -> (0, 0, 0)>
module attributes {stable_mosaic.version = 14 : i64} {
  func.func @_gather_body(%arg0: i32, %arg1: i32, %arg2: memref<1000000x32xf32, #tpu.memory_space<hbm>>, %arg3: memref<6400x128xi32, #tpu.memory_space<hbm>>, %arg4: memref<6400x128x32xf32, #tpu.memory_space<hbm>>, %arg5: memref<8x128xi32, #tpu.memory_space<vmem>>, %arg6: memref<8x128x32xf32, #tpu.memory_space<vmem>>, %arg7: memref<!tpu.dma_semaphore, #tpu.memory_space<semaphore_mem>>) attributes {dimension_semantics = [#tpu.dimension_semantics<core_parallel>, #tpu.dimension_semantics<subcore_parallel>], iteration_bounds = array<i64: 2, 16>, scalar_prefetch = 0 : i64, scratch_operands = 3 : i64, tpu.core_type = #tpu.core_type<sc_vector_subcore>, window_params = [{transform_indices = #map}, {transform_indices = #map}, {transform_indices = #map1}]} {
    %mul3A = arith.constant 2 : i32
    %mul3A_0 = arith.muli %arg1, %mul3A : i32
    %add3A = arith.addi %mul3A_0, %arg0 : i32
    %scan3A = arith.constant 0 : i32
    %scan3A_1 = arith.constant 0 : i32
    %scan3A_2 = arith.constant 25 : i32
    %scan3A_3 = arith.addi %scan3A_1, %scan3A_2 : i32
    %scan3A_4 = arith.constant 1 : i32
    scf.for %scan3A_6 = %scan3A_1 to %scan3A_3 step %scan3A_4  : i32 {
      %mul3A_7 = arith.constant 200 : i32
      %mul3A_8 = arith.muli %add3A, %mul3A_7 : i32
      %mul3A_9 = arith.constant 8 : i32
      %mul3A_10 = arith.muli %scan3A_6, %mul3A_9 : i32
      %add3A_11 = arith.addi %mul3A_8, %mul3A_10 : i32
      "tpu.region"() ({
        %run_scoped3A = tpu.sem_alloc : memref<!tpu.dma_semaphore, #tpu.memory_space<semaphore_mem>>
        %dma_start3A_202 = arith.constant 0 : i32
        %dma_start3A_203 = tpu.memref_slice %arg3[%add3A_11, %dma_start3A_202] : memref<6400x128xi32, #tpu.memory_space<hbm>> -> memref<8x128xi32, #tpu.memory_space<hbm>>
        %dma_start3A_204 = arith.constant 0 : i32
        %dma_start3A_205 = tpu.memref_slice %arg3[%add3A_11, %dma_start3A_204] : memref<6400x128xi32, #tpu.memory_space<hbm>> -> memref<8x128xi32, #tpu.memory_space<hbm>>
        tpu.enqueue_dma source(%dma_start3A_205 : memref<8x128xi32, #tpu.memory_space<hbm>>) target(%arg5 : memref<8x128xi32, #tpu.memory_space<vmem>>) target_semaphore(%run_scoped3A : memref<!tpu.dma_semaphore, #tpu.memory_space<semaphore_mem>>)
        %dma_wait3A_206 = arith.constant 0 : i32
        %dma_wait3A_207 = tpu.memref_slice %arg3[%add3A_11, %dma_wait3A_206] : memref<6400x128xi32, #tpu.memory_space<hbm>> -> memref<8x128xi32, #tpu.memory_space<hbm>>
        %dma_wait3A_208 = arith.constant 0 : i32
        %dma_wait3A_209 = tpu.memref_slice %arg3[%add3A_11, %dma_wait3A_208] : memref<6400x128xi32, #tpu.memory_space<hbm>> -> memref<8x128xi32, #tpu.memory_space<hbm>>
        tpu.wait_dma2 semaphore(%run_scoped3A : memref<!tpu.dma_semaphore, #tpu.memory_space<semaphore_mem>>) src(%dma_wait3A_209 : memref<8x128xi32, #tpu.memory_space<hbm>>) dst(%arg5 : memref<8x128xi32, #tpu.memory_space<vmem>>)
        tpu.yield
      }) : () -> ()
      %dma_start3A = arith.constant 0 : i32
      %dma_start3A_12 = arith.constant 0 : i32
      %dma_start3A_13 = arith.constant 0 : i32
      %dma_start3A_14 = arith.constant 0 : i32
      %dma_start3A_15 = tpu.memref_slice %arg6[%dma_start3A_12, %dma_start3A_13, %dma_start3A_14] : memref<8x128x32xf32, #tpu.memory_space<vmem>> -> memref<1x128x32xf32, #tpu.memory_space<vmem>>
      %dma_start3A_16 = tpu.memref_squeeze %dma_start3A_15 : memref<1x128x32xf32, #tpu.memory_space<vmem>> -> memref<128x32xf32, #tpu.memory_space<vmem>>
      %dma_start3A_17 = arith.constant 0 : i32
      %dma_start3A_18 = tpu.memref_slice %arg5[%dma_start3A, %dma_start3A_17] : memref<8x128xi32, #tpu.memory_space<vmem>> -> memref<1x128xi32, #tpu.memory_space<vmem>>
      %dma_start3A_19 = tpu.memref_squeeze %dma_start3A_18 : memref<1x128xi32, #tpu.memory_space<vmem>> -> memref<128xi32, #tpu.memory_space<vmem>>
      %dma_start3A_20 = arith.constant 0 : i32
      %dma_start3A_21 = arith.constant 0 : i32
      %dma_start3A_22 = tpu.memref_slice %arg2[%dma_start3A_20, %dma_start3A_21] : memref<1000000x32xf32, #tpu.memory_space<hbm>> -> memref<1000000x32xf32, #tpu.memory_space<hbm>>
      tpu.enqueue_indirect_dma source(%dma_start3A_22 : memref<1000000x32xf32, #tpu.memory_space<hbm>>) target(%dma_start3A_16 : memref<128x32xf32, #tpu.memory_space<vmem>>) offsets(%dma_start3A_19 : memref<128xi32, #tpu.memory_space<vmem>>) semaphore(%arg7 : memref<!tpu.dma_semaphore, #tpu.memory_space<semaphore_mem>>)
      %dma_start3A_23 = arith.constant 1 : i32
      %dma_start3A_24 = arith.constant 1 : i32
      %dma_start3A_25 = arith.constant 0 : i32
      %dma_start3A_26 = arith.constant 0 : i32
      %dma_start3A_27 = tpu.memref_slice %arg6[%dma_start3A_24, %dma_start3A_25, %dma_start3A_26] : memref<8x128x32xf32, #tpu.memory_space<vmem>> -> memref<1x128x32xf32, #tpu.memory_space<vmem>>
      %dma_start3A_28 = tpu.memref_squeeze %dma_start3A_27 : memref<1x128x32xf32, #tpu.memory_space<vmem>> -> memref<128x32xf32, #tpu.memory_space<vmem>>
      %dma_start3A_29 = arith.constant 0 : i32
      %dma_start3A_30 = tpu.memref_slice %arg5[%dma_start3A_23, %dma_start3A_29] : memref<8x128xi32, #tpu.memory_space<vmem>> -> memref<1x128xi32, #tpu.memory_space<vmem>>
      %dma_start3A_31 = tpu.memref_squeeze %dma_start3A_30 : memref<1x128xi32, #tpu.memory_space<vmem>> -> memref<128xi32, #tpu.memory_space<vmem>>
      %dma_start3A_32 = arith.constant 0 : i32
      %dma_start3A_33 = arith.constant 0 : i32
      %dma_start3A_34 = tpu.memref_slice %arg2[%dma_start3A_32, %dma_start3A_33] : memref<1000000x32xf32, #tpu.memory_space<hbm>> -> memref<1000000x32xf32, #tpu.memory_space<hbm>>
      tpu.enqueue_indirect_dma source(%dma_start3A_34 : memref<1000000x32xf32, #tpu.memory_space<hbm>>) target(%dma_start3A_28 : memref<128x32xf32, #tpu.memory_space<vmem>>) offsets(%dma_start3A_31 : memref<128xi32, #tpu.memory_space<vmem>>) semaphore(%arg7 : memref<!tpu.dma_semaphore, #tpu.memory_space<semaphore_mem>>)
      %dma_start3A_35 = arith.constant 2 : i32
      %dma_start3A_36 = arith.constant 2 : i32
      %dma_start3A_37 = arith.constant 0 : i32
      %dma_start3A_38 = arith.constant 0 : i32
      %dma_start3A_39 = tpu.memref_slice %arg6[%dma_start3A_36, %dma_start3A_37, %dma_start3A_38] : memref<8x128x32xf32, #tpu.memory_space<vmem>> -> memref<1x128x32xf32, #tpu.memory_space<vmem>>
      %dma_start3A_40 = tpu.memref_squeeze %dma_start3A_39 : memref<1x128x32xf32, #tpu.memory_space<vmem>> -> memref<128x32xf32, #tpu.memory_space<vmem>>
      %dma_start3A_41 = arith.constant 0 : i32
      %dma_start3A_42 = tpu.memref_slice %arg5[%dma_start3A_35, %dma_start3A_41] : memref<8x128xi32, #tpu.memory_space<vmem>> -> memref<1x128xi32, #tpu.memory_space<vmem>>
      %dma_start3A_43 = tpu.memref_squeeze %dma_start3A_42 : memref<1x128xi32, #tpu.memory_space<vmem>> -> memref<128xi32, #tpu.memory_space<vmem>>
      %dma_start3A_44 = arith.constant 0 : i32
      %dma_start3A_45 = arith.constant 0 : i32
      %dma_start3A_46 = tpu.memref_slice %arg2[%dma_start3A_44, %dma_start3A_45] : memref<1000000x32xf32, #tpu.memory_space<hbm>> -> memref<1000000x32xf32, #tpu.memory_space<hbm>>
      tpu.enqueue_indirect_dma source(%dma_start3A_46 : memref<1000000x32xf32, #tpu.memory_space<hbm>>) target(%dma_start3A_40 : memref<128x32xf32, #tpu.memory_space<vmem>>) offsets(%dma_start3A_43 : memref<128xi32, #tpu.memory_space<vmem>>) semaphore(%arg7 : memref<!tpu.dma_semaphore, #tpu.memory_space<semaphore_mem>>)
      %dma_start3A_47 = arith.constant 3 : i32
      %dma_start3A_48 = arith.constant 3 : i32
      %dma_start3A_49 = arith.constant 0 : i32
      %dma_start3A_50 = arith.constant 0 : i32
      %dma_start3A_51 = tpu.memref_slice %arg6[%dma_start3A_48, %dma_start3A_49, %dma_start3A_50] : memref<8x128x32xf32, #tpu.memory_space<vmem>> -> memref<1x128x32xf32, #tpu.memory_space<vmem>>
      %dma_start3A_52 = tpu.memref_squeeze %dma_start3A_51 : memref<1x128x32xf32, #tpu.memory_space<vmem>> -> memref<128x32xf32, #tpu.memory_space<vmem>>
      %dma_start3A_53 = arith.constant 0 : i32
      %dma_start3A_54 = tpu.memref_slice %arg5[%dma_start3A_47, %dma_start3A_53] : memref<8x128xi32, #tpu.memory_space<vmem>> -> memref<1x128xi32, #tpu.memory_space<vmem>>
      %dma_start3A_55 = tpu.memref_squeeze %dma_start3A_54 : memref<1x128xi32, #tpu.memory_space<vmem>> -> memref<128xi32, #tpu.memory_space<vmem>>
      %dma_start3A_56 = arith.constant 0 : i32
      %dma_start3A_57 = arith.constant 0 : i32
      %dma_start3A_58 = tpu.memref_slice %arg2[%dma_start3A_56, %dma_start3A_57] : memref<1000000x32xf32, #tpu.memory_space<hbm>> -> memref<1000000x32xf32, #tpu.memory_space<hbm>>
      tpu.enqueue_indirect_dma source(%dma_start3A_58 : memref<1000000x32xf32, #tpu.memory_space<hbm>>) target(%dma_start3A_52 : memref<128x32xf32, #tpu.memory_space<vmem>>) offsets(%dma_start3A_55 : memref<128xi32, #tpu.memory_space<vmem>>) semaphore(%arg7 : memref<!tpu.dma_semaphore, #tpu.memory_space<semaphore_mem>>)
      %dma_start3A_59 = arith.constant 4 : i32
      %dma_start3A_60 = arith.constant 4 : i32
      %dma_start3A_61 = arith.constant 0 : i32
      %dma_start3A_62 = arith.constant 0 : i32
      %dma_start3A_63 = tpu.memref_slice %arg6[%dma_start3A_60, %dma_start3A_61, %dma_start3A_62] : memref<8x128x32xf32, #tpu.memory_space<vmem>> -> memref<1x128x32xf32, #tpu.memory_space<vmem>>
      %dma_start3A_64 = tpu.memref_squeeze %dma_start3A_63 : memref<1x128x32xf32, #tpu.memory_space<vmem>> -> memref<128x32xf32, #tpu.memory_space<vmem>>
      %dma_start3A_65 = arith.constant 0 : i32
      %dma_start3A_66 = tpu.memref_slice %arg5[%dma_start3A_59, %dma_start3A_65] : memref<8x128xi32, #tpu.memory_space<vmem>> -> memref<1x128xi32, #tpu.memory_space<vmem>>
      %dma_start3A_67 = tpu.memref_squeeze %dma_start3A_66 : memref<1x128xi32, #tpu.memory_space<vmem>> -> memref<128xi32, #tpu.memory_space<vmem>>
      %dma_start3A_68 = arith.constant 0 : i32
      %dma_start3A_69 = arith.constant 0 : i32
      %dma_start3A_70 = tpu.memref_slice %arg2[%dma_start3A_68, %dma_start3A_69] : memref<1000000x32xf32, #tpu.memory_space<hbm>> -> memref<1000000x32xf32, #tpu.memory_space<hbm>>
      tpu.enqueue_indirect_dma source(%dma_start3A_70 : memref<1000000x32xf32, #tpu.memory_space<hbm>>) target(%dma_start3A_64 : memref<128x32xf32, #tpu.memory_space<vmem>>) offsets(%dma_start3A_67 : memref<128xi32, #tpu.memory_space<vmem>>) semaphore(%arg7 : memref<!tpu.dma_semaphore, #tpu.memory_space<semaphore_mem>>)
      %dma_start3A_71 = arith.constant 5 : i32
      %dma_start3A_72 = arith.constant 5 : i32
      %dma_start3A_73 = arith.constant 0 : i32
      %dma_start3A_74 = arith.constant 0 : i32
      %dma_start3A_75 = tpu.memref_slice %arg6[%dma_start3A_72, %dma_start3A_73, %dma_start3A_74] : memref<8x128x32xf32, #tpu.memory_space<vmem>> -> memref<1x128x32xf32, #tpu.memory_space<vmem>>
      %dma_start3A_76 = tpu.memref_squeeze %dma_start3A_75 : memref<1x128x32xf32, #tpu.memory_space<vmem>> -> memref<128x32xf32, #tpu.memory_space<vmem>>
      %dma_start3A_77 = arith.constant 0 : i32
      %dma_start3A_78 = tpu.memref_slice %arg5[%dma_start3A_71, %dma_start3A_77] : memref<8x128xi32, #tpu.memory_space<vmem>> -> memref<1x128xi32, #tpu.memory_space<vmem>>
      %dma_start3A_79 = tpu.memref_squeeze %dma_start3A_78 : memref<1x128xi32, #tpu.memory_space<vmem>> -> memref<128xi32, #tpu.memory_space<vmem>>
      %dma_start3A_80 = arith.constant 0 : i32
      %dma_start3A_81 = arith.constant 0 : i32
      %dma_start3A_82 = tpu.memref_slice %arg2[%dma_start3A_80, %dma_start3A_81] : memref<1000000x32xf32, #tpu.memory_space<hbm>> -> memref<1000000x32xf32, #tpu.memory_space<hbm>>
      tpu.enqueue_indirect_dma source(%dma_start3A_82 : memref<1000000x32xf32, #tpu.memory_space<hbm>>) target(%dma_start3A_76 : memref<128x32xf32, #tpu.memory_space<vmem>>) offsets(%dma_start3A_79 : memref<128xi32, #tpu.memory_space<vmem>>) semaphore(%arg7 : memref<!tpu.dma_semaphore, #tpu.memory_space<semaphore_mem>>)
      %dma_start3A_83 = arith.constant 6 : i32
      %dma_start3A_84 = arith.constant 6 : i32
      %dma_start3A_85 = arith.constant 0 : i32
      %dma_start3A_86 = arith.constant 0 : i32
      %dma_start3A_87 = tpu.memref_slice %arg6[%dma_start3A_84, %dma_start3A_85, %dma_start3A_86] : memref<8x128x32xf32, #tpu.memory_space<vmem>> -> memref<1x128x32xf32, #tpu.memory_space<vmem>>
      %dma_start3A_88 = tpu.memref_squeeze %dma_start3A_87 : memref<1x128x32xf32, #tpu.memory_space<vmem>> -> memref<128x32xf32, #tpu.memory_space<vmem>>
      %dma_start3A_89 = arith.constant 0 : i32
      %dma_start3A_90 = tpu.memref_slice %arg5[%dma_start3A_83, %dma_start3A_89] : memref<8x128xi32, #tpu.memory_space<vmem>> -> memref<1x128xi32, #tpu.memory_space<vmem>>
      %dma_start3A_91 = tpu.memref_squeeze %dma_start3A_90 : memref<1x128xi32, #tpu.memory_space<vmem>> -> memref<128xi32, #tpu.memory_space<vmem>>
      %dma_start3A_92 = arith.constant 0 : i32
      %dma_start3A_93 = arith.constant 0 : i32
      %dma_start3A_94 = tpu.memref_slice %arg2[%dma_start3A_92, %dma_start3A_93] : memref<1000000x32xf32, #tpu.memory_space<hbm>> -> memref<1000000x32xf32, #tpu.memory_space<hbm>>
      tpu.enqueue_indirect_dma source(%dma_start3A_94 : memref<1000000x32xf32, #tpu.memory_space<hbm>>) target(%dma_start3A_88 : memref<128x32xf32, #tpu.memory_space<vmem>>) offsets(%dma_start3A_91 : memref<128xi32, #tpu.memory_space<vmem>>) semaphore(%arg7 : memref<!tpu.dma_semaphore, #tpu.memory_space<semaphore_mem>>)
      %dma_start3A_95 = arith.constant 7 : i32
      %dma_start3A_96 = arith.constant 7 : i32
      %dma_start3A_97 = arith.constant 0 : i32
      %dma_start3A_98 = arith.constant 0 : i32
      %dma_start3A_99 = tpu.memref_slice %arg6[%dma_start3A_96, %dma_start3A_97, %dma_start3A_98] : memref<8x128x32xf32, #tpu.memory_space<vmem>> -> memref<1x128x32xf32, #tpu.memory_space<vmem>>
      %dma_start3A_100 = tpu.memref_squeeze %dma_start3A_99 : memref<1x128x32xf32, #tpu.memory_space<vmem>> -> memref<128x32xf32, #tpu.memory_space<vmem>>
      %dma_start3A_101 = arith.constant 0 : i32
      %dma_start3A_102 = tpu.memref_slice %arg5[%dma_start3A_95, %dma_start3A_101] : memref<8x128xi32, #tpu.memory_space<vmem>> -> memref<1x128xi32, #tpu.memory_space<vmem>>
      %dma_start3A_103 = tpu.memref_squeeze %dma_start3A_102 : memref<1x128xi32, #tpu.memory_space<vmem>> -> memref<128xi32, #tpu.memory_space<vmem>>
      %dma_start3A_104 = arith.constant 0 : i32
      %dma_start3A_105 = arith.constant 0 : i32
      %dma_start3A_106 = tpu.memref_slice %arg2[%dma_start3A_104, %dma_start3A_105] : memref<1000000x32xf32, #tpu.memory_space<hbm>> -> memref<1000000x32xf32, #tpu.memory_space<hbm>>
      tpu.enqueue_indirect_dma source(%dma_start3A_106 : memref<1000000x32xf32, #tpu.memory_space<hbm>>) target(%dma_start3A_100 : memref<128x32xf32, #tpu.memory_space<vmem>>) offsets(%dma_start3A_103 : memref<128xi32, #tpu.memory_space<vmem>>) semaphore(%arg7 : memref<!tpu.dma_semaphore, #tpu.memory_space<semaphore_mem>>)
      %dma_wait3A = arith.constant 0 : i32
      %dma_wait3A_107 = arith.constant 0 : i32
      %dma_wait3A_108 = arith.constant 0 : i32
      %dma_wait3A_109 = arith.constant 0 : i32
      %dma_wait3A_110 = tpu.memref_slice %arg6[%dma_wait3A_107, %dma_wait3A_108, %dma_wait3A_109] : memref<8x128x32xf32, #tpu.memory_space<vmem>> -> memref<1x128x32xf32, #tpu.memory_space<vmem>>
      %dma_wait3A_111 = tpu.memref_squeeze %dma_wait3A_110 : memref<1x128x32xf32, #tpu.memory_space<vmem>> -> memref<128x32xf32, #tpu.memory_space<vmem>>
      %dma_wait3A_112 = arith.constant 0 : i32
      %dma_wait3A_113 = tpu.memref_slice %arg5[%dma_wait3A, %dma_wait3A_112] : memref<8x128xi32, #tpu.memory_space<vmem>> -> memref<1x128xi32, #tpu.memory_space<vmem>>
      %dma_wait3A_114 = tpu.memref_squeeze %dma_wait3A_113 : memref<1x128xi32, #tpu.memory_space<vmem>> -> memref<128xi32, #tpu.memory_space<vmem>>
      %dma_wait3A_115 = arith.constant 0 : i32
      %dma_wait3A_116 = arith.constant 0 : i32
      %dma_wait3A_117 = tpu.memref_slice %arg2[%dma_wait3A_115, %dma_wait3A_116] : memref<1000000x32xf32, #tpu.memory_space<hbm>> -> memref<1000000x32xf32, #tpu.memory_space<hbm>>
      tpu.wait_indirect_dma semaphore(%arg7 : memref<!tpu.dma_semaphore, #tpu.memory_space<semaphore_mem>>) src(%dma_wait3A_117 : memref<1000000x32xf32, #tpu.memory_space<hbm>>) dst(%dma_wait3A_111 : memref<128x32xf32, #tpu.memory_space<vmem>>)
      %dma_wait3A_118 = arith.constant 1 : i32
      %dma_wait3A_119 = arith.constant 1 : i32
      %dma_wait3A_120 = arith.constant 0 : i32
      %dma_wait3A_121 = arith.constant 0 : i32
      %dma_wait3A_122 = tpu.memref_slice %arg6[%dma_wait3A_119, %dma_wait3A_120, %dma_wait3A_121] : memref<8x128x32xf32, #tpu.memory_space<vmem>> -> memref<1x128x32xf32, #tpu.memory_space<vmem>>
      %dma_wait3A_123 = tpu.memref_squeeze %dma_wait3A_122 : memref<1x128x32xf32, #tpu.memory_space<vmem>> -> memref<128x32xf32, #tpu.memory_space<vmem>>
      %dma_wait3A_124 = arith.constant 0 : i32
      %dma_wait3A_125 = tpu.memref_slice %arg5[%dma_wait3A_118, %dma_wait3A_124] : memref<8x128xi32, #tpu.memory_space<vmem>> -> memref<1x128xi32, #tpu.memory_space<vmem>>
      %dma_wait3A_126 = tpu.memref_squeeze %dma_wait3A_125 : memref<1x128xi32, #tpu.memory_space<vmem>> -> memref<128xi32, #tpu.memory_space<vmem>>
      %dma_wait3A_127 = arith.constant 0 : i32
      %dma_wait3A_128 = arith.constant 0 : i32
      %dma_wait3A_129 = tpu.memref_slice %arg2[%dma_wait3A_127, %dma_wait3A_128] : memref<1000000x32xf32, #tpu.memory_space<hbm>> -> memref<1000000x32xf32, #tpu.memory_space<hbm>>
      tpu.wait_indirect_dma semaphore(%arg7 : memref<!tpu.dma_semaphore, #tpu.memory_space<semaphore_mem>>) src(%dma_wait3A_129 : memref<1000000x32xf32, #tpu.memory_space<hbm>>) dst(%dma_wait3A_123 : memref<128x32xf32, #tpu.memory_space<vmem>>)
      %dma_wait3A_130 = arith.constant 2 : i32
      %dma_wait3A_131 = arith.constant 2 : i32
      %dma_wait3A_132 = arith.constant 0 : i32
      %dma_wait3A_133 = arith.constant 0 : i32
      %dma_wait3A_134 = tpu.memref_slice %arg6[%dma_wait3A_131, %dma_wait3A_132, %dma_wait3A_133] : memref<8x128x32xf32, #tpu.memory_space<vmem>> -> memref<1x128x32xf32, #tpu.memory_space<vmem>>
      %dma_wait3A_135 = tpu.memref_squeeze %dma_wait3A_134 : memref<1x128x32xf32, #tpu.memory_space<vmem>> -> memref<128x32xf32, #tpu.memory_space<vmem>>
      %dma_wait3A_136 = arith.constant 0 : i32
      %dma_wait3A_137 = tpu.memref_slice %arg5[%dma_wait3A_130, %dma_wait3A_136] : memref<8x128xi32, #tpu.memory_space<vmem>> -> memref<1x128xi32, #tpu.memory_space<vmem>>
      %dma_wait3A_138 = tpu.memref_squeeze %dma_wait3A_137 : memref<1x128xi32, #tpu.memory_space<vmem>> -> memref<128xi32, #tpu.memory_space<vmem>>
      %dma_wait3A_139 = arith.constant 0 : i32
      %dma_wait3A_140 = arith.constant 0 : i32
      %dma_wait3A_141 = tpu.memref_slice %arg2[%dma_wait3A_139, %dma_wait3A_140] : memref<1000000x32xf32, #tpu.memory_space<hbm>> -> memref<1000000x32xf32, #tpu.memory_space<hbm>>
      tpu.wait_indirect_dma semaphore(%arg7 : memref<!tpu.dma_semaphore, #tpu.memory_space<semaphore_mem>>) src(%dma_wait3A_141 : memref<1000000x32xf32, #tpu.memory_space<hbm>>) dst(%dma_wait3A_135 : memref<128x32xf32, #tpu.memory_space<vmem>>)
      %dma_wait3A_142 = arith.constant 3 : i32
      %dma_wait3A_143 = arith.constant 3 : i32
      %dma_wait3A_144 = arith.constant 0 : i32
      %dma_wait3A_145 = arith.constant 0 : i32
      %dma_wait3A_146 = tpu.memref_slice %arg6[%dma_wait3A_143, %dma_wait3A_144, %dma_wait3A_145] : memref<8x128x32xf32, #tpu.memory_space<vmem>> -> memref<1x128x32xf32, #tpu.memory_space<vmem>>
      %dma_wait3A_147 = tpu.memref_squeeze %dma_wait3A_146 : memref<1x128x32xf32, #tpu.memory_space<vmem>> -> memref<128x32xf32, #tpu.memory_space<vmem>>
      %dma_wait3A_148 = arith.constant 0 : i32
      %dma_wait3A_149 = tpu.memref_slice %arg5[%dma_wait3A_142, %dma_wait3A_148] : memref<8x128xi32, #tpu.memory_space<vmem>> -> memref<1x128xi32, #tpu.memory_space<vmem>>
      %dma_wait3A_150 = tpu.memref_squeeze %dma_wait3A_149 : memref<1x128xi32, #tpu.memory_space<vmem>> -> memref<128xi32, #tpu.memory_space<vmem>>
      %dma_wait3A_151 = arith.constant 0 : i32
      %dma_wait3A_152 = arith.constant 0 : i32
      %dma_wait3A_153 = tpu.memref_slice %arg2[%dma_wait3A_151, %dma_wait3A_152] : memref<1000000x32xf32, #tpu.memory_space<hbm>> -> memref<1000000x32xf32, #tpu.memory_space<hbm>>
      tpu.wait_indirect_dma semaphore(%arg7 : memref<!tpu.dma_semaphore, #tpu.memory_space<semaphore_mem>>) src(%dma_wait3A_153 : memref<1000000x32xf32, #tpu.memory_space<hbm>>) dst(%dma_wait3A_147 : memref<128x32xf32, #tpu.memory_space<vmem>>)
      %dma_wait3A_154 = arith.constant 4 : i32
      %dma_wait3A_155 = arith.constant 4 : i32
      %dma_wait3A_156 = arith.constant 0 : i32
      %dma_wait3A_157 = arith.constant 0 : i32
      %dma_wait3A_158 = tpu.memref_slice %arg6[%dma_wait3A_155, %dma_wait3A_156, %dma_wait3A_157] : memref<8x128x32xf32, #tpu.memory_space<vmem>> -> memref<1x128x32xf32, #tpu.memory_space<vmem>>
      %dma_wait3A_159 = tpu.memref_squeeze %dma_wait3A_158 : memref<1x128x32xf32, #tpu.memory_space<vmem>> -> memref<128x32xf32, #tpu.memory_space<vmem>>
      %dma_wait3A_160 = arith.constant 0 : i32
      %dma_wait3A_161 = tpu.memref_slice %arg5[%dma_wait3A_154, %dma_wait3A_160] : memref<8x128xi32, #tpu.memory_space<vmem>> -> memref<1x128xi32, #tpu.memory_space<vmem>>
      %dma_wait3A_162 = tpu.memref_squeeze %dma_wait3A_161 : memref<1x128xi32, #tpu.memory_space<vmem>> -> memref<128xi32, #tpu.memory_space<vmem>>
      %dma_wait3A_163 = arith.constant 0 : i32
      %dma_wait3A_164 = arith.constant 0 : i32
      %dma_wait3A_165 = tpu.memref_slice %arg2[%dma_wait3A_163, %dma_wait3A_164] : memref<1000000x32xf32, #tpu.memory_space<hbm>> -> memref<1000000x32xf32, #tpu.memory_space<hbm>>
      tpu.wait_indirect_dma semaphore(%arg7 : memref<!tpu.dma_semaphore, #tpu.memory_space<semaphore_mem>>) src(%dma_wait3A_165 : memref<1000000x32xf32, #tpu.memory_space<hbm>>) dst(%dma_wait3A_159 : memref<128x32xf32, #tpu.memory_space<vmem>>)
      %dma_wait3A_166 = arith.constant 5 : i32
      %dma_wait3A_167 = arith.constant 5 : i32
      %dma_wait3A_168 = arith.constant 0 : i32
      %dma_wait3A_169 = arith.constant 0 : i32
      %dma_wait3A_170 = tpu.memref_slice %arg6[%dma_wait3A_167, %dma_wait3A_168, %dma_wait3A_169] : memref<8x128x32xf32, #tpu.memory_space<vmem>> -> memref<1x128x32xf32, #tpu.memory_space<vmem>>
      %dma_wait3A_171 = tpu.memref_squeeze %dma_wait3A_170 : memref<1x128x32xf32, #tpu.memory_space<vmem>> -> memref<128x32xf32, #tpu.memory_space<vmem>>
      %dma_wait3A_172 = arith.constant 0 : i32
      %dma_wait3A_173 = tpu.memref_slice %arg5[%dma_wait3A_166, %dma_wait3A_172] : memref<8x128xi32, #tpu.memory_space<vmem>> -> memref<1x128xi32, #tpu.memory_space<vmem>>
      %dma_wait3A_174 = tpu.memref_squeeze %dma_wait3A_173 : memref<1x128xi32, #tpu.memory_space<vmem>> -> memref<128xi32, #tpu.memory_space<vmem>>
      %dma_wait3A_175 = arith.constant 0 : i32
      %dma_wait3A_176 = arith.constant 0 : i32
      %dma_wait3A_177 = tpu.memref_slice %arg2[%dma_wait3A_175, %dma_wait3A_176] : memref<1000000x32xf32, #tpu.memory_space<hbm>> -> memref<1000000x32xf32, #tpu.memory_space<hbm>>
      tpu.wait_indirect_dma semaphore(%arg7 : memref<!tpu.dma_semaphore, #tpu.memory_space<semaphore_mem>>) src(%dma_wait3A_177 : memref<1000000x32xf32, #tpu.memory_space<hbm>>) dst(%dma_wait3A_171 : memref<128x32xf32, #tpu.memory_space<vmem>>)
      %dma_wait3A_178 = arith.constant 6 : i32
      %dma_wait3A_179 = arith.constant 6 : i32
      %dma_wait3A_180 = arith.constant 0 : i32
      %dma_wait3A_181 = arith.constant 0 : i32
      %dma_wait3A_182 = tpu.memref_slice %arg6[%dma_wait3A_179, %dma_wait3A_180, %dma_wait3A_181] : memref<8x128x32xf32, #tpu.memory_space<vmem>> -> memref<1x128x32xf32, #tpu.memory_space<vmem>>
      %dma_wait3A_183 = tpu.memref_squeeze %dma_wait3A_182 : memref<1x128x32xf32, #tpu.memory_space<vmem>> -> memref<128x32xf32, #tpu.memory_space<vmem>>
      %dma_wait3A_184 = arith.constant 0 : i32
      %dma_wait3A_185 = tpu.memref_slice %arg5[%dma_wait3A_178, %dma_wait3A_184] : memref<8x128xi32, #tpu.memory_space<vmem>> -> memref<1x128xi32, #tpu.memory_space<vmem>>
      %dma_wait3A_186 = tpu.memref_squeeze %dma_wait3A_185 : memref<1x128xi32, #tpu.memory_space<vmem>> -> memref<128xi32, #tpu.memory_space<vmem>>
      %dma_wait3A_187 = arith.constant 0 : i32
      %dma_wait3A_188 = arith.constant 0 : i32
      %dma_wait3A_189 = tpu.memref_slice %arg2[%dma_wait3A_187, %dma_wait3A_188] : memref<1000000x32xf32, #tpu.memory_space<hbm>> -> memref<1000000x32xf32, #tpu.memory_space<hbm>>
      tpu.wait_indirect_dma semaphore(%arg7 : memref<!tpu.dma_semaphore, #tpu.memory_space<semaphore_mem>>) src(%dma_wait3A_189 : memref<1000000x32xf32, #tpu.memory_space<hbm>>) dst(%dma_wait3A_183 : memref<128x32xf32, #tpu.memory_space<vmem>>)
      %dma_wait3A_190 = arith.constant 7 : i32
      %dma_wait3A_191 = arith.constant 7 : i32
      %dma_wait3A_192 = arith.constant 0 : i32
      %dma_wait3A_193 = arith.constant 0 : i32
      %dma_wait3A_194 = tpu.memref_slice %arg6[%dma_wait3A_191, %dma_wait3A_192, %dma_wait3A_193] : memref<8x128x32xf32, #tpu.memory_space<vmem>> -> memref<1x128x32xf32, #tpu.memory_space<vmem>>
      %dma_wait3A_195 = tpu.memref_squeeze %dma_wait3A_194 : memref<1x128x32xf32, #tpu.memory_space<vmem>> -> memref<128x32xf32, #tpu.memory_space<vmem>>
      %dma_wait3A_196 = arith.constant 0 : i32
      %dma_wait3A_197 = tpu.memref_slice %arg5[%dma_wait3A_190, %dma_wait3A_196] : memref<8x128xi32, #tpu.memory_space<vmem>> -> memref<1x128xi32, #tpu.memory_space<vmem>>
      %dma_wait3A_198 = tpu.memref_squeeze %dma_wait3A_197 : memref<1x128xi32, #tpu.memory_space<vmem>> -> memref<128xi32, #tpu.memory_space<vmem>>
      %dma_wait3A_199 = arith.constant 0 : i32
      %dma_wait3A_200 = arith.constant 0 : i32
      %dma_wait3A_201 = tpu.memref_slice %arg2[%dma_wait3A_199, %dma_wait3A_200] : memref<1000000x32xf32, #tpu.memory_space<hbm>> -> memref<1000000x32xf32, #tpu.memory_space<hbm>>
      tpu.wait_indirect_dma semaphore(%arg7 : memref<!tpu.dma_semaphore, #tpu.memory_space<semaphore_mem>>) src(%dma_wait3A_201 : memref<1000000x32xf32, #tpu.memory_space<hbm>>) dst(%dma_wait3A_195 : memref<128x32xf32, #tpu.memory_space<vmem>>)
      "tpu.region"() ({
        %run_scoped3A = tpu.sem_alloc : memref<!tpu.dma_semaphore, #tpu.memory_space<semaphore_mem>>
        %dma_start3A_202 = arith.constant 0 : i32
        %dma_start3A_203 = arith.constant 0 : i32
        %dma_start3A_204 = tpu.memref_slice %arg4[%add3A_11, %dma_start3A_202, %dma_start3A_203] : memref<6400x128x32xf32, #tpu.memory_space<hbm>> -> memref<8x128x32xf32, #tpu.memory_space<hbm>>
        %dma_start3A_205 = arith.constant 0 : i32
        %dma_start3A_206 = arith.constant 0 : i32
        %dma_start3A_207 = tpu.memref_slice %arg4[%add3A_11, %dma_start3A_205, %dma_start3A_206] : memref<6400x128x32xf32, #tpu.memory_space<hbm>> -> memref<8x128x32xf32, #tpu.memory_space<hbm>>
        tpu.enqueue_dma source(%arg6 : memref<8x128x32xf32, #tpu.memory_space<vmem>>) target(%dma_start3A_207 : memref<8x128x32xf32, #tpu.memory_space<hbm>>) target_semaphore(%run_scoped3A : memref<!tpu.dma_semaphore, #tpu.memory_space<semaphore_mem>>)
        %dma_wait3A_208 = arith.constant 0 : i32
        %dma_wait3A_209 = arith.constant 0 : i32
        %dma_wait3A_210 = tpu.memref_slice %arg4[%add3A_11, %dma_wait3A_208, %dma_wait3A_209] : memref<6400x128x32xf32, #tpu.memory_space<hbm>> -> memref<8x128x32xf32, #tpu.memory_space<hbm>>
        %dma_wait3A_211 = arith.constant 0 : i32
        %dma_wait3A_212 = arith.constant 0 : i32
        %dma_wait3A_213 = tpu.memref_slice %arg4[%add3A_11, %dma_wait3A_211, %dma_wait3A_212] : memref<6400x128x32xf32, #tpu.memory_space<hbm>> -> memref<8x128x32xf32, #tpu.memory_space<hbm>>
        tpu.wait_dma2 semaphore(%run_scoped3A : memref<!tpu.dma_semaphore, #tpu.memory_space<semaphore_mem>>) src(%arg6 : memref<8x128x32xf32, #tpu.memory_space<vmem>>) dst(%dma_wait3A_213 : memref<8x128x32xf32, #tpu.memory_space<hbm>>)
        tpu.yield
      }) : () -> ()
    }
    %scan3A_5 = arith.constant 25 : i32
    return
  }
}

module attributes {stable_mosaic.version = 14 : i64} {
  func.func @_proj_body(%arg0: i32, %arg1: memref<8192x128xf32, #tpu.memory_space<vmem>>, %arg2: memref<64x32xf32, #tpu.memory_space<vmem>>, %arg3: memref<64x1xf32, #tpu.memory_space<vmem>>, %arg4: memref<8x64x4096xf32, #tpu.memory_space<vmem>>) attributes {dimension_semantics = [#tpu.dimension_semantics<arbitrary>], iteration_bounds = array<i64: 25>, scalar_prefetch = 0 : i64, scratch_operands = 0 : i64, tpu.core_type = #tpu.core_type<tc>, window_params = [{transform_indices = @transform_0, window_bounds = array<i64: 8192, 128>}, {pipeline_mode = #tpu.pipeline_mode<synchronous>, transform_indices = @transform_1, window_bounds = array<i64: 64, 32>}, {pipeline_mode = #tpu.pipeline_mode<synchronous>, transform_indices = @transform_2, window_bounds = array<i64: 64, 1>}, {transform_indices = @transform_3, window_bounds = array<i64: 8, 64, 4096>}]} {
    %get3A = arith.constant 0 : index
    %get3A_0 = arith.constant 0 : index
    %get3A_1 = vector.load %arg1[%get3A, %get3A_0] : memref<8192x128xf32, #tpu.memory_space<vmem>>, vector<1024x128xf32>
    %slice3A = vector.extract_strided_slice %get3A_1 {offsets = [0, 0], sizes = [1024, 32], strides = [1, 1]} : vector<1024x128xf32> to vector<1024x32xf32>
    %get3A_2 = arith.constant 0 : index
    %get3A_3 = arith.constant 0 : index
    %get3A_4 = vector.load %arg2[%get3A_2, %get3A_3] : memref<64x32xf32, #tpu.memory_space<vmem>>, vector<64x32xf32>
    %dot_general3A = arith.constant dense<0.000000e+00> : vector<64x1024xf32>
    %dot_general3A_5 = tpu.matmul %get3A_4, %slice3A, %dot_general3A {dimension_numbers = #tpu.dot_dimension_numbers<[1], [1], [0], [0], [0, 0, 1, 0], [], []>, transpose_lhs_hint = false} : vector<64x32xf32>, vector<1024x32xf32>, vector<64x1024xf32> -> vector<64x1024xf32>
    %slice3A_6 = vector.extract_strided_slice %get3A_1 {offsets = [0, 32], sizes = [1024, 32], strides = [1, 1]} : vector<1024x128xf32> to vector<1024x32xf32>
    %get3A_7 = arith.constant 0 : index
    %get3A_8 = arith.constant 0 : index
    %get3A_9 = vector.load %arg2[%get3A_7, %get3A_8] : memref<64x32xf32, #tpu.memory_space<vmem>>, vector<64x32xf32>
    %dot_general3A_10 = arith.constant dense<0.000000e+00> : vector<64x1024xf32>
    %dot_general3A_11 = tpu.matmul %get3A_9, %slice3A_6, %dot_general3A_10 {dimension_numbers = #tpu.dot_dimension_numbers<[1], [1], [0], [0], [0, 0, 1, 0], [], []>, transpose_lhs_hint = false} : vector<64x32xf32>, vector<1024x32xf32>, vector<64x1024xf32> -> vector<64x1024xf32>
    %slice3A_12 = vector.extract_strided_slice %get3A_1 {offsets = [0, 64], sizes = [1024, 32], strides = [1, 1]} : vector<1024x128xf32> to vector<1024x32xf32>
    %get3A_13 = arith.constant 0 : index
    %get3A_14 = arith.constant 0 : index
    %get3A_15 = vector.load %arg2[%get3A_13, %get3A_14] : memref<64x32xf32, #tpu.memory_space<vmem>>, vector<64x32xf32>
    %dot_general3A_16 = arith.constant dense<0.000000e+00> : vector<64x1024xf32>
    %dot_general3A_17 = tpu.matmul %get3A_15, %slice3A_12, %dot_general3A_16 {dimension_numbers = #tpu.dot_dimension_numbers<[1], [1], [0], [0], [0, 0, 1, 0], [], []>, transpose_lhs_hint = false} : vector<64x32xf32>, vector<1024x32xf32>, vector<64x1024xf32> -> vector<64x1024xf32>
    %slice3A_18 = vector.extract_strided_slice %get3A_1 {offsets = [0, 96], sizes = [1024, 32], strides = [1, 1]} : vector<1024x128xf32> to vector<1024x32xf32>
    %get3A_19 = arith.constant 0 : index
    %get3A_20 = arith.constant 0 : index
    %get3A_21 = vector.load %arg2[%get3A_19, %get3A_20] : memref<64x32xf32, #tpu.memory_space<vmem>>, vector<64x32xf32>
    %dot_general3A_22 = arith.constant dense<0.000000e+00> : vector<64x1024xf32>
    %dot_general3A_23 = tpu.matmul %get3A_21, %slice3A_18, %dot_general3A_22 {dimension_numbers = #tpu.dot_dimension_numbers<[1], [1], [0], [0], [0, 0, 1, 0], [], []>, transpose_lhs_hint = false} : vector<64x32xf32>, vector<1024x32xf32>, vector<64x1024xf32> -> vector<64x1024xf32>
    %concatenate3A = tpu.concatenate %dot_general3A_5, %dot_general3A_11, %dot_general3A_17, %dot_general3A_23 in 1 : vector<64x1024xf32>, vector<64x1024xf32>, vector<64x1024xf32>, vector<64x1024xf32> -> vector<64x4096xf32>
    %get3A_24 = arith.constant 0 : index
    %get3A_25 = arith.constant 0 : index
    %get3A_26 = vector.load %arg3[%get3A_24, %get3A_25] : memref<64x1xf32, #tpu.memory_space<vmem>>, vector<64x1xf32>
    %add3A = vector.broadcast %get3A_26 : vector<64x1xf32> to vector<64x4096xf32>
    %add3A_27 = arith.addf %concatenate3A, %add3A : vector<64x4096xf32>
    %swap3A = arith.constant 0 : index
    %swap3A_28 = arith.constant 0 : index
    %swap3A_29 = arith.constant 0 : index
    %swap3A_30 = vector.load %arg4[%swap3A, %swap3A_28, %swap3A_29] : memref<8x64x4096xf32, #tpu.memory_space<vmem>>, vector<1x64x4096xf32>
    %swap3A_31 = vector.shape_cast %swap3A_30 : vector<1x64x4096xf32> to vector<64x4096xf32>
    %swap3A_32 = vector.shape_cast %add3A_27 : vector<64x4096xf32> to vector<1x64x4096xf32>
    tpu.vector_store %arg4[%swap3A, %swap3A_28, %swap3A_29], %swap3A_32 {strides = array<i32>} : memref<8x64x4096xf32, #tpu.memory_space<vmem>>, vector<1x64x4096xf32>,
    %get3A_33 = arith.constant 1024 : index
    %get3A_34 = arith.constant 0 : index
    %get3A_35 = vector.load %arg1[%get3A_33, %get3A_34] : memref<8192x128xf32, #tpu.memory_space<vmem>>, vector<1024x128xf32>
    %slice3A_36 = vector.extract_strided_slice %get3A_35 {offsets = [0, 0], sizes = [1024, 32], strides = [1, 1]} : vector<1024x128xf32> to vector<1024x32xf32>
    %get3A_37 = arith.constant 0 : index
    %get3A_38 = arith.constant 0 : index
    %get3A_39 = vector.load %arg2[%get3A_37, %get3A_38] : memref<64x32xf32, #tpu.memory_space<vmem>>, vector<64x32xf32>
    %dot_general3A_40 = arith.constant dense<0.000000e+00> : vector<64x1024xf32>
    %dot_general3A_41 = tpu.matmul %get3A_39, %slice3A_36, %dot_general3A_40 {dimension_numbers = #tpu.dot_dimension_numbers<[1], [1], [0], [0], [0, 0, 1, 0], [], []>, transpose_lhs_hint = false} : vector<64x32xf32>, vector<1024x32xf32>, vector<64x1024xf32> -> vector<64x1024xf32>
    %slice3A_42 = vector.extract_strided_slice %get3A_35 {offsets = [0, 32], sizes = [1024, 32], strides = [1, 1]} : vector<1024x128xf32> to vector<1024x32xf32>
    %get3A_43 = arith.constant 0 : index
    %get3A_44 = arith.constant 0 : index
    %get3A_45 = vector.load %arg2[%get3A_43, %get3A_44] : memref<64x32xf32, #tpu.memory_space<vmem>>, vector<64x32xf32>
    %dot_general3A_46 = arith.constant dense<0.000000e+00> : vector<64x1024xf32>
    %dot_general3A_47 = tpu.matmul %get3A_45, %slice3A_42, %dot_general3A_46 {dimension_numbers = #tpu.dot_dimension_numbers<[1], [1], [0], [0], [0, 0, 1, 0], [], []>, transpose_lhs_hint = false} : vector<64x32xf32>, vector<1024x32xf32>, vector<64x1024xf32> -> vector<64x1024xf32>
    %slice3A_48 = vector.extract_strided_slice %get3A_35 {offsets = [0, 64], sizes = [1024, 32], strides = [1, 1]} : vector<1024x128xf32> to vector<1024x32xf32>
    %get3A_49 = arith.constant 0 : index
    %get3A_50 = arith.constant 0 : index
    %get3A_51 = vector.load %arg2[%get3A_49, %get3A_50] : memref<64x32xf32, #tpu.memory_space<vmem>>, vector<64x32xf32>
    %dot_general3A_52 = arith.constant dense<0.000000e+00> : vector<64x1024xf32>
    %dot_general3A_53 = tpu.matmul %get3A_51, %slice3A_48, %dot_general3A_52 {dimension_numbers = #tpu.dot_dimension_numbers<[1], [1], [0], [0], [0, 0, 1, 0], [], []>, transpose_lhs_hint = false} : vector<64x32xf32>, vector<1024x32xf32>, vector<64x1024xf32> -> vector<64x1024xf32>
    %slice3A_54 = vector.extract_strided_slice %get3A_35 {offsets = [0, 96], sizes = [1024, 32], strides = [1, 1]} : vector<1024x128xf32> to vector<1024x32xf32>
    %get3A_55 = arith.constant 0 : index
    %get3A_56 = arith.constant 0 : index
    %get3A_57 = vector.load %arg2[%get3A_55, %get3A_56] : memref<64x32xf32, #tpu.memory_space<vmem>>, vector<64x32xf32>
    %dot_general3A_58 = arith.constant dense<0.000000e+00> : vector<64x1024xf32>
    %dot_general3A_59 = tpu.matmul %get3A_57, %slice3A_54, %dot_general3A_58 {dimension_numbers = #tpu.dot_dimension_numbers<[1], [1], [0], [0], [0, 0, 1, 0], [], []>, transpose_lhs_hint = false} : vector<64x32xf32>, vector<1024x32xf32>, vector<64x1024xf32> -> vector<64x1024xf32>
    %concatenate3A_60 = tpu.concatenate %dot_general3A_41, %dot_general3A_47, %dot_general3A_53, %dot_general3A_59 in 1 : vector<64x1024xf32>, vector<64x1024xf32>, vector<64x1024xf32>, vector<64x1024xf32> -> vector<64x4096xf32>
    %get3A_61 = arith.constant 0 : index
    %get3A_62 = arith.constant 0 : index
    %get3A_63 = vector.load %arg3[%get3A_61, %get3A_62] : memref<64x1xf32, #tpu.memory_space<vmem>>, vector<64x1xf32>
    %add3A_64 = vector.broadcast %get3A_63 : vector<64x1xf32> to vector<64x4096xf32>
    %add3A_65 = arith.addf %concatenate3A_60, %add3A_64 : vector<64x4096xf32>
    %swap3A_66 = arith.constant 1 : index
    %swap3A_67 = arith.constant 0 : index
    %swap3A_68 = arith.constant 0 : index
    %swap3A_69 = vector.load %arg4[%swap3A_66, %swap3A_67, %swap3A_68] : memref<8x64x4096xf32, #tpu.memory_space<vmem>>, vector<1x64x4096xf32>
    %swap3A_70 = vector.shape_cast %swap3A_69 : vector<1x64x4096xf32> to vector<64x4096xf32>
    %swap3A_71 = vector.shape_cast %add3A_65 : vector<64x4096xf32> to vector<1x64x4096xf32>
    tpu.vector_store %arg4[%swap3A_66, %swap3A_67, %swap3A_68], %swap3A_71 {strides = array<i32>} : memref<8x64x4096xf32, #tpu.memory_space<vmem>>, vector<1x64x4096xf32>,
    %get3A_72 = arith.constant 2048 : index
    %get3A_73 = arith.constant 0 : index
    %get3A_74 = vector.load %arg1[%get3A_72, %get3A_73] : memref<8192x128xf32, #tpu.memory_space<vmem>>, vector<1024x128xf32>
    %slice3A_75 = vector.extract_strided_slice %get3A_74 {offsets = [0, 0], sizes = [1024, 32], strides = [1, 1]} : vector<1024x128xf32> to vector<1024x32xf32>
    %get3A_76 = arith.constant 0 : index
    %get3A_77 = arith.constant 0 : index
    %get3A_78 = vector.load %arg2[%get3A_76, %get3A_77] : memref<64x32xf32, #tpu.memory_space<vmem>>, vector<64x32xf32>
    %dot_general3A_79 = arith.constant dense<0.000000e+00> : vector<64x1024xf32>
    %dot_general3A_80 = tpu.matmul %get3A_78, %slice3A_75, %dot_general3A_79 {dimension_numbers = #tpu.dot_dimension_numbers<[1], [1], [0], [0], [0, 0, 1, 0], [], []>, transpose_lhs_hint = false} : vector<64x32xf32>, vector<1024x32xf32>, vector<64x1024xf32> -> vector<64x1024xf32>
    %slice3A_81 = vector.extract_strided_slice %get3A_74 {offsets = [0, 32], sizes = [1024, 32], strides = [1, 1]} : vector<1024x128xf32> to vector<1024x32xf32>
    %get3A_82 = arith.constant 0 : index
    %get3A_83 = arith.constant 0 : index
    %get3A_84 = vector.load %arg2[%get3A_82, %get3A_83] : memref<64x32xf32, #tpu.memory_space<vmem>>, vector<64x32xf32>
    %dot_general3A_85 = arith.constant dense<0.000000e+00> : vector<64x1024xf32>
    %dot_general3A_86 = tpu.matmul %get3A_84, %slice3A_81, %dot_general3A_85 {dimension_numbers = #tpu.dot_dimension_numbers<[1], [1], [0], [0], [0, 0, 1, 0], [], []>, transpose_lhs_hint = false} : vector<64x32xf32>, vector<1024x32xf32>, vector<64x1024xf32> -> vector<64x1024xf32>
    %slice3A_87 = vector.extract_strided_slice %get3A_74 {offsets = [0, 64], sizes = [1024, 32], strides = [1, 1]} : vector<1024x128xf32> to vector<1024x32xf32>
    %get3A_88 = arith.constant 0 : index
    %get3A_89 = arith.constant 0 : index
    %get3A_90 = vector.load %arg2[%get3A_88, %get3A_89] : memref<64x32xf32, #tpu.memory_space<vmem>>, vector<64x32xf32>
    %dot_general3A_91 = arith.constant dense<0.000000e+00> : vector<64x1024xf32>
    %dot_general3A_92 = tpu.matmul %get3A_90, %slice3A_87, %dot_general3A_91 {dimension_numbers = #tpu.dot_dimension_numbers<[1], [1], [0], [0], [0, 0, 1, 0], [], []>, transpose_lhs_hint = false} : vector<64x32xf32>, vector<1024x32xf32>, vector<64x1024xf32> -> vector<64x1024xf32>
    %slice3A_93 = vector.extract_strided_slice %get3A_74 {offsets = [0, 96], sizes = [1024, 32], strides = [1, 1]} : vector<1024x128xf32> to vector<1024x32xf32>
    %get3A_94 = arith.constant 0 : index
    %get3A_95 = arith.constant 0 : index
    %get3A_96 = vector.load %arg2[%get3A_94, %get3A_95] : memref<64x32xf32, #tpu.memory_space<vmem>>, vector<64x32xf32>
    %dot_general3A_97 = arith.constant dense<0.000000e+00> : vector<64x1024xf32>
    %dot_general3A_98 = tpu.matmul %get3A_96, %slice3A_93, %dot_general3A_97 {dimension_numbers = #tpu.dot_dimension_numbers<[1], [1], [0], [0], [0, 0, 1, 0], [], []>, transpose_lhs_hint = false} : vector<64x32xf32>, vector<1024x32xf32>, vector<64x1024xf32> -> vector<64x1024xf32>
    %concatenate3A_99 = tpu.concatenate %dot_general3A_80, %dot_general3A_86, %dot_general3A_92, %dot_general3A_98 in 1 : vector<64x1024xf32>, vector<64x1024xf32>, vector<64x1024xf32>, vector<64x1024xf32> -> vector<64x4096xf32>
    %get3A_100 = arith.constant 0 : index
    %get3A_101 = arith.constant 0 : index
    %get3A_102 = vector.load %arg3[%get3A_100, %get3A_101] : memref<64x1xf32, #tpu.memory_space<vmem>>, vector<64x1xf32>
    %add3A_103 = vector.broadcast %get3A_102 : vector<64x1xf32> to vector<64x4096xf32>
    %add3A_104 = arith.addf %concatenate3A_99, %add3A_103 : vector<64x4096xf32>
    %swap3A_105 = arith.constant 2 : index
    %swap3A_106 = arith.constant 0 : index
    %swap3A_107 = arith.constant 0 : index
    %swap3A_108 = vector.load %arg4[%swap3A_105, %swap3A_106, %swap3A_107] : memref<8x64x4096xf32, #tpu.memory_space<vmem>>, vector<1x64x4096xf32>
    %swap3A_109 = vector.shape_cast %swap3A_108 : vector<1x64x4096xf32> to vector<64x4096xf32>
    %swap3A_110 = vector.shape_cast %add3A_104 : vector<64x4096xf32> to vector<1x64x4096xf32>
    tpu.vector_store %arg4[%swap3A_105, %swap3A_106, %swap3A_107], %swap3A_110 {strides = array<i32>} : memref<8x64x4096xf32, #tpu.memory_space<vmem>>, vector<1x64x4096xf32>,
    %get3A_111 = arith.constant 3072 : index
    %get3A_112 = arith.constant 0 : index
    %get3A_113 = vector.load %arg1[%get3A_111, %get3A_112] : memref<8192x128xf32, #tpu.memory_space<vmem>>, vector<1024x128xf32>
    %slice3A_114 = vector.extract_strided_slice %get3A_113 {offsets = [0, 0], sizes = [1024, 32], strides = [1, 1]} : vector<1024x128xf32> to vector<1024x32xf32>
    %get3A_115 = arith.constant 0 : index
    %get3A_116 = arith.constant 0 : index
    %get3A_117 = vector.load %arg2[%get3A_115, %get3A_116] : memref<64x32xf32, #tpu.memory_space<vmem>>, vector<64x32xf32>
    %dot_general3A_118 = arith.constant dense<0.000000e+00> : vector<64x1024xf32>
    %dot_general3A_119 = tpu.matmul %get3A_117, %slice3A_114, %dot_general3A_118 {dimension_numbers = #tpu.dot_dimension_numbers<[1], [1], [0], [0], [0, 0, 1, 0], [], []>, transpose_lhs_hint = false} : vector<64x32xf32>, vector<1024x32xf32>, vector<64x1024xf32> -> vector<64x1024xf32>
    %slice3A_120 = vector.extract_strided_slice %get3A_113 {offsets = [0, 32], sizes = [1024, 32], strides = [1, 1]} : vector<1024x128xf32> to vector<1024x32xf32>
    %get3A_121 = arith.constant 0 : index
    %get3A_122 = arith.constant 0 : index
    %get3A_123 = vector.load %arg2[%get3A_121, %get3A_122] : memref<64x32xf32, #tpu.memory_space<vmem>>, vector<64x32xf32>
    %dot_general3A_124 = arith.constant dense<0.000000e+00> : vector<64x1024xf32>
    %dot_general3A_125 = tpu.matmul %get3A_123, %slice3A_120, %dot_general3A_124 {dimension_numbers = #tpu.dot_dimension_numbers<[1], [1], [0], [0], [0, 0, 1, 0], [], []>, transpose_lhs_hint = false} : vector<64x32xf32>, vector<1024x32xf32>, vector<64x1024xf32> -> vector<64x1024xf32>
    %slice3A_126 = vector.extract_strided_slice %get3A_113 {offsets = [0, 64], sizes = [1024, 32], strides = [1, 1]} : vector<1024x128xf32> to vector<1024x32xf32>
    %get3A_127 = arith.constant 0 : index
    %get3A_128 = arith.constant 0 : index
    %get3A_129 = vector.load %arg2[%get3A_127, %get3A_128] : memref<64x32xf32, #tpu.memory_space<vmem>>, vector<64x32xf32>
    %dot_general3A_130 = arith.constant dense<0.000000e+00> : vector<64x1024xf32>
    %dot_general3A_131 = tpu.matmul %get3A_129, %slice3A_126, %dot_general3A_130 {dimension_numbers = #tpu.dot_dimension_numbers<[1], [1], [0], [0], [0, 0, 1, 0], [], []>, transpose_lhs_hint = false} : vector<64x32xf32>, vector<1024x32xf32>, vector<64x1024xf32> -> vector<64x1024xf32>
    %slice3A_132 = vector.extract_strided_slice %get3A_113 {offsets = [0, 96], sizes = [1024, 32], strides = [1, 1]} : vector<1024x128xf32> to vector<1024x32xf32>
    %get3A_133 = arith.constant 0 : index
    %get3A_134 = arith.constant 0 : index
    %get3A_135 = vector.load %arg2[%get3A_133, %get3A_134] : memref<64x32xf32, #tpu.memory_space<vmem>>, vector<64x32xf32>
    %dot_general3A_136 = arith.constant dense<0.000000e+00> : vector<64x1024xf32>
    %dot_general3A_137 = tpu.matmul %get3A_135, %slice3A_132, %dot_general3A_136 {dimension_numbers = #tpu.dot_dimension_numbers<[1], [1], [0], [0], [0, 0, 1, 0], [], []>, transpose_lhs_hint = false} : vector<64x32xf32>, vector<1024x32xf32>, vector<64x1024xf32> -> vector<64x1024xf32>
    %concatenate3A_138 = tpu.concatenate %dot_general3A_119, %dot_general3A_125, %dot_general3A_131, %dot_general3A_137 in 1 : vector<64x1024xf32>, vector<64x1024xf32>, vector<64x1024xf32>, vector<64x1024xf32> -> vector<64x4096xf32>
    %get3A_139 = arith.constant 0 : index
    %get3A_140 = arith.constant 0 : index
    %get3A_141 = vector.load %arg3[%get3A_139, %get3A_140] : memref<64x1xf32, #tpu.memory_space<vmem>>, vector<64x1xf32>
    %add3A_142 = vector.broadcast %get3A_141 : vector<64x1xf32> to vector<64x4096xf32>
    %add3A_143 = arith.addf %concatenate3A_138, %add3A_142 : vector<64x4096xf32>
    %swap3A_144 = arith.constant 3 : index
    %swap3A_145 = arith.constant 0 : index
    %swap3A_146 = arith.constant 0 : index
    %swap3A_147 = vector.load %arg4[%swap3A_144, %swap3A_145, %swap3A_146] : memref<8x64x4096xf32, #tpu.memory_space<vmem>>, vector<1x64x4096xf32>
    %swap3A_148 = vector.shape_cast %swap3A_147 : vector<1x64x4096xf32> to vector<64x4096xf32>
    %swap3A_149 = vector.shape_cast %add3A_143 : vector<64x4096xf32> to vector<1x64x4096xf32>
    tpu.vector_store %arg4[%swap3A_144, %swap3A_145, %swap3A_146], %swap3A_149 {strides = array<i32>} : memref<8x64x4096xf32, #tpu.memory_space<vmem>>, vector<1x64x4096xf32>,
    %get3A_150 = arith.constant 4096 : index
    %get3A_151 = arith.constant 0 : index
    %get3A_152 = vector.load %arg1[%get3A_150, %get3A_151] : memref<8192x128xf32, #tpu.memory_space<vmem>>, vector<1024x128xf32>
    %slice3A_153 = vector.extract_strided_slice %get3A_152 {offsets = [0, 0], sizes = [1024, 32], strides = [1, 1]} : vector<1024x128xf32> to vector<1024x32xf32>
    %get3A_154 = arith.constant 0 : index
    %get3A_155 = arith.constant 0 : index
    %get3A_156 = vector.load %arg2[%get3A_154, %get3A_155] : memref<64x32xf32, #tpu.memory_space<vmem>>, vector<64x32xf32>
    %dot_general3A_157 = arith.constant dense<0.000000e+00> : vector<64x1024xf32>
    %dot_general3A_158 = tpu.matmul %get3A_156, %slice3A_153, %dot_general3A_157 {dimension_numbers = #tpu.dot_dimension_numbers<[1], [1], [0], [0], [0, 0, 1, 0], [], []>, transpose_lhs_hint = false} : vector<64x32xf32>, vector<1024x32xf32>, vector<64x1024xf32> -> vector<64x1024xf32>
    %slice3A_159 = vector.extract_strided_slice %get3A_152 {offsets = [0, 32], sizes = [1024, 32], strides = [1, 1]} : vector<1024x128xf32> to vector<1024x32xf32>
    %get3A_160 = arith.constant 0 : index
    %get3A_161 = arith.constant 0 : index
    %get3A_162 = vector.load %arg2[%get3A_160, %get3A_161] : memref<64x32xf32, #tpu.memory_space<vmem>>, vector<64x32xf32>
    %dot_general3A_163 = arith.constant dense<0.000000e+00> : vector<64x1024xf32>
    %dot_general3A_164 = tpu.matmul %get3A_162, %slice3A_159, %dot_general3A_163 {dimension_numbers = #tpu.dot_dimension_numbers<[1], [1], [0], [0], [0, 0, 1, 0], [], []>, transpose_lhs_hint = false} : vector<64x32xf32>, vector<1024x32xf32>, vector<64x1024xf32> -> vector<64x1024xf32>
    %slice3A_165 = vector.extract_strided_slice %get3A_152 {offsets = [0, 64], sizes = [1024, 32], strides = [1, 1]} : vector<1024x128xf32> to vector<1024x32xf32>
    %get3A_166 = arith.constant 0 : index
    %get3A_167 = arith.constant 0 : index
    %get3A_168 = vector.load %arg2[%get3A_166, %get3A_167] : memref<64x32xf32, #tpu.memory_space<vmem>>, vector<64x32xf32>
    %dot_general3A_169 = arith.constant dense<0.000000e+00> : vector<64x1024xf32>
    %dot_general3A_170 = tpu.matmul %get3A_168, %slice3A_165, %dot_general3A_169 {dimension_numbers = #tpu.dot_dimension_numbers<[1], [1], [0], [0], [0, 0, 1, 0], [], []>, transpose_lhs_hint = false} : vector<64x32xf32>, vector<1024x32xf32>, vector<64x1024xf32> -> vector<64x1024xf32>
    %slice3A_171 = vector.extract_strided_slice %get3A_152 {offsets = [0, 96], sizes = [1024, 32], strides = [1, 1]} : vector<1024x128xf32> to vector<1024x32xf32>
    %get3A_172 = arith.constant 0 : index
    %get3A_173 = arith.constant 0 : index
    %get3A_174 = vector.load %arg2[%get3A_172, %get3A_173] : memref<64x32xf32, #tpu.memory_space<vmem>>, vector<64x32xf32>
    %dot_general3A_175 = arith.constant dense<0.000000e+00> : vector<64x1024xf32>
    %dot_general3A_176 = tpu.matmul %get3A_174, %slice3A_171, %dot_general3A_175 {dimension_numbers = #tpu.dot_dimension_numbers<[1], [1], [0], [0], [0, 0, 1, 0], [], []>, transpose_lhs_hint = false} : vector<64x32xf32>, vector<1024x32xf32>, vector<64x1024xf32> -> vector<64x1024xf32>
    %concatenate3A_177 = tpu.concatenate %dot_general3A_158, %dot_general3A_164, %dot_general3A_170, %dot_general3A_176 in 1 : vector<64x1024xf32>, vector<64x1024xf32>, vector<64x1024xf32>, vector<64x1024xf32> -> vector<64x4096xf32>
    %get3A_178 = arith.constant 0 : index
    %get3A_179 = arith.constant 0 : index
    %get3A_180 = vector.load %arg3[%get3A_178, %get3A_179] : memref<64x1xf32, #tpu.memory_space<vmem>>, vector<64x1xf32>
    %add3A_181 = vector.broadcast %get3A_180 : vector<64x1xf32> to vector<64x4096xf32>
    %add3A_182 = arith.addf %concatenate3A_177, %add3A_181 : vector<64x4096xf32>
    %swap3A_183 = arith.constant 4 : index
    %swap3A_184 = arith.constant 0 : index
    %swap3A_185 = arith.constant 0 : index
    %swap3A_186 = vector.load %arg4[%swap3A_183, %swap3A_184, %swap3A_185] : memref<8x64x4096xf32, #tpu.memory_space<vmem>>, vector<1x64x4096xf32>
    %swap3A_187 = vector.shape_cast %swap3A_186 : vector<1x64x4096xf32> to vector<64x4096xf32>
    %swap3A_188 = vector.shape_cast %add3A_182 : vector<64x4096xf32> to vector<1x64x4096xf32>
    tpu.vector_store %arg4[%swap3A_183, %swap3A_184, %swap3A_185], %swap3A_188 {strides = array<i32>} : memref<8x64x4096xf32, #tpu.memory_space<vmem>>, vector<1x64x4096xf32>,
    %get3A_189 = arith.constant 5120 : index
    %get3A_190 = arith.constant 0 : index
    %get3A_191 = vector.load %arg1[%get3A_189, %get3A_190] : memref<8192x128xf32, #tpu.memory_space<vmem>>, vector<1024x128xf32>
    %slice3A_192 = vector.extract_strided_slice %get3A_191 {offsets = [0, 0], sizes = [1024, 32], strides = [1, 1]} : vector<1024x128xf32> to vector<1024x32xf32>
    %get3A_193 = arith.constant 0 : index
    %get3A_194 = arith.constant 0 : index
    %get3A_195 = vector.load %arg2[%get3A_193, %get3A_194] : memref<64x32xf32, #tpu.memory_space<vmem>>, vector<64x32xf32>
    %dot_general3A_196 = arith.constant dense<0.000000e+00> : vector<64x1024xf32>
    %dot_general3A_197 = tpu.matmul %get3A_195, %slice3A_192, %dot_general3A_196 {dimension_numbers = #tpu.dot_dimension_numbers<[1], [1], [0], [0], [0, 0, 1, 0], [], []>, transpose_lhs_hint = false} : vector<64x32xf32>, vector<1024x32xf32>, vector<64x1024xf32> -> vector<64x1024xf32>
    %slice3A_198 = vector.extract_strided_slice %get3A_191 {offsets = [0, 32], sizes = [1024, 32], strides = [1, 1]} : vector<1024x128xf32> to vector<1024x32xf32>
    %get3A_199 = arith.constant 0 : index
    %get3A_200 = arith.constant 0 : index
    %get3A_201 = vector.load %arg2[%get3A_199, %get3A_200] : memref<64x32xf32, #tpu.memory_space<vmem>>, vector<64x32xf32>
    %dot_general3A_202 = arith.constant dense<0.000000e+00> : vector<64x1024xf32>
    %dot_general3A_203 = tpu.matmul %get3A_201, %slice3A_198, %dot_general3A_202 {dimension_numbers = #tpu.dot_dimension_numbers<[1], [1], [0], [0], [0, 0, 1, 0], [], []>, transpose_lhs_hint = false} : vector<64x32xf32>, vector<1024x32xf32>, vector<64x1024xf32> -> vector<64x1024xf32>
    %slice3A_204 = vector.extract_strided_slice %get3A_191 {offsets = [0, 64], sizes = [1024, 32], strides = [1, 1]} : vector<1024x128xf32> to vector<1024x32xf32>
    %get3A_205 = arith.constant 0 : index
    %get3A_206 = arith.constant 0 : index
    %get3A_207 = vector.load %arg2[%get3A_205, %get3A_206] : memref<64x32xf32, #tpu.memory_space<vmem>>, vector<64x32xf32>
    %dot_general3A_208 = arith.constant dense<0.000000e+00> : vector<64x1024xf32>
    %dot_general3A_209 = tpu.matmul %get3A_207, %slice3A_204, %dot_general3A_208 {dimension_numbers = #tpu.dot_dimension_numbers<[1], [1], [0], [0], [0, 0, 1, 0], [], []>, transpose_lhs_hint = false} : vector<64x32xf32>, vector<1024x32xf32>, vector<64x1024xf32> -> vector<64x1024xf32>
    %slice3A_210 = vector.extract_strided_slice %get3A_191 {offsets = [0, 96], sizes = [1024, 32], strides = [1, 1]} : vector<1024x128xf32> to vector<1024x32xf32>
    %get3A_211 = arith.constant 0 : index
    %get3A_212 = arith.constant 0 : index
    %get3A_213 = vector.load %arg2[%get3A_211, %get3A_212] : memref<64x32xf32, #tpu.memory_space<vmem>>, vector<64x32xf32>
    %dot_general3A_214 = arith.constant dense<0.000000e+00> : vector<64x1024xf32>
    %dot_general3A_215 = tpu.matmul %get3A_213, %slice3A_210, %dot_general3A_214 {dimension_numbers = #tpu.dot_dimension_numbers<[1], [1], [0], [0], [0, 0, 1, 0], [], []>, transpose_lhs_hint = false} : vector<64x32xf32>, vector<1024x32xf32>, vector<64x1024xf32> -> vector<64x1024xf32>
    %concatenate3A_216 = tpu.concatenate %dot_general3A_197, %dot_general3A_203, %dot_general3A_209, %dot_general3A_215 in 1 : vector<64x1024xf32>, vector<64x1024xf32>, vector<64x1024xf32>, vector<64x1024xf32> -> vector<64x4096xf32>
    %get3A_217 = arith.constant 0 : index
    %get3A_218 = arith.constant 0 : index
    %get3A_219 = vector.load %arg3[%get3A_217, %get3A_218] : memref<64x1xf32, #tpu.memory_space<vmem>>, vector<64x1xf32>
    %add3A_220 = vector.broadcast %get3A_219 : vector<64x1xf32> to vector<64x4096xf32>
    %add3A_221 = arith.addf %concatenate3A_216, %add3A_220 : vector<64x4096xf32>
    %swap3A_222 = arith.constant 5 : index
    %swap3A_223 = arith.constant 0 : index
    %swap3A_224 = arith.constant 0 : index
    %swap3A_225 = vector.load %arg4[%swap3A_222, %swap3A_223, %swap3A_224] : memref<8x64x4096xf32, #tpu.memory_space<vmem>>, vector<1x64x4096xf32>
    %swap3A_226 = vector.shape_cast %swap3A_225 : vector<1x64x4096xf32> to vector<64x4096xf32>
    %swap3A_227 = vector.shape_cast %add3A_221 : vector<64x4096xf32> to vector<1x64x4096xf32>
    tpu.vector_store %arg4[%swap3A_222, %swap3A_223, %swap3A_224], %swap3A_227 {strides = array<i32>} : memref<8x64x4096xf32, #tpu.memory_space<vmem>>, vector<1x64x4096xf32>,
    %get3A_228 = arith.constant 6144 : index
    %get3A_229 = arith.constant 0 : index
    %get3A_230 = vector.load %arg1[%get3A_228, %get3A_229] : memref<8192x128xf32, #tpu.memory_space<vmem>>, vector<1024x128xf32>
    %slice3A_231 = vector.extract_strided_slice %get3A_230 {offsets = [0, 0], sizes = [1024, 32], strides = [1, 1]} : vector<1024x128xf32> to vector<1024x32xf32>
    %get3A_232 = arith.constant 0 : index
    %get3A_233 = arith.constant 0 : index
    %get3A_234 = vector.load %arg2[%get3A_232, %get3A_233] : memref<64x32xf32, #tpu.memory_space<vmem>>, vector<64x32xf32>
    %dot_general3A_235 = arith.constant dense<0.000000e+00> : vector<64x1024xf32>
    %dot_general3A_236 = tpu.matmul %get3A_234, %slice3A_231, %dot_general3A_235 {dimension_numbers = #tpu.dot_dimension_numbers<[1], [1], [0], [0], [0, 0, 1, 0], [], []>, transpose_lhs_hint = false} : vector<64x32xf32>, vector<1024x32xf32>, vector<64x1024xf32> -> vector<64x1024xf32>
    %slice3A_237 = vector.extract_strided_slice %get3A_230 {offsets = [0, 32], sizes = [1024, 32], strides = [1, 1]} : vector<1024x128xf32> to vector<1024x32xf32>
    %get3A_238 = arith.constant 0 : index
    %get3A_239 = arith.constant 0 : index
    %get3A_240 = vector.load %arg2[%get3A_238, %get3A_239] : memref<64x32xf32, #tpu.memory_space<vmem>>, vector<64x32xf32>
    %dot_general3A_241 = arith.constant dense<0.000000e+00> : vector<64x1024xf32>
    %dot_general3A_242 = tpu.matmul %get3A_240, %slice3A_237, %dot_general3A_241 {dimension_numbers = #tpu.dot_dimension_numbers<[1], [1], [0], [0], [0, 0, 1, 0], [], []>, transpose_lhs_hint = false} : vector<64x32xf32>, vector<1024x32xf32>, vector<64x1024xf32> -> vector<64x1024xf32>
    %slice3A_243 = vector.extract_strided_slice %get3A_230 {offsets = [0, 64], sizes = [1024, 32], strides = [1, 1]} : vector<1024x128xf32> to vector<1024x32xf32>
    %get3A_244 = arith.constant 0 : index
    %get3A_245 = arith.constant 0 : index
    %get3A_246 = vector.load %arg2[%get3A_244, %get3A_245] : memref<64x32xf32, #tpu.memory_space<vmem>>, vector<64x32xf32>
    %dot_general3A_247 = arith.constant dense<0.000000e+00> : vector<64x1024xf32>
    %dot_general3A_248 = tpu.matmul %get3A_246, %slice3A_243, %dot_general3A_247 {dimension_numbers = #tpu.dot_dimension_numbers<[1], [1], [0], [0], [0, 0, 1, 0], [], []>, transpose_lhs_hint = false} : vector<64x32xf32>, vector<1024x32xf32>, vector<64x1024xf32> -> vector<64x1024xf32>
    %slice3A_249 = vector.extract_strided_slice %get3A_230 {offsets = [0, 96], sizes = [1024, 32], strides = [1, 1]} : vector<1024x128xf32> to vector<1024x32xf32>
    %get3A_250 = arith.constant 0 : index
    %get3A_251 = arith.constant 0 : index
    %get3A_252 = vector.load %arg2[%get3A_250, %get3A_251] : memref<64x32xf32, #tpu.memory_space<vmem>>, vector<64x32xf32>
    %dot_general3A_253 = arith.constant dense<0.000000e+00> : vector<64x1024xf32>
    %dot_general3A_254 = tpu.matmul %get3A_252, %slice3A_249, %dot_general3A_253 {dimension_numbers = #tpu.dot_dimension_numbers<[1], [1], [0], [0], [0, 0, 1, 0], [], []>, transpose_lhs_hint = false} : vector<64x32xf32>, vector<1024x32xf32>, vector<64x1024xf32> -> vector<64x1024xf32>
    %concatenate3A_255 = tpu.concatenate %dot_general3A_236, %dot_general3A_242, %dot_general3A_248, %dot_general3A_254 in 1 : vector<64x1024xf32>, vector<64x1024xf32>, vector<64x1024xf32>, vector<64x1024xf32> -> vector<64x4096xf32>
    %get3A_256 = arith.constant 0 : index
    %get3A_257 = arith.constant 0 : index
    %get3A_258 = vector.load %arg3[%get3A_256, %get3A_257] : memref<64x1xf32, #tpu.memory_space<vmem>>, vector<64x1xf32>
    %add3A_259 = vector.broadcast %get3A_258 : vector<64x1xf32> to vector<64x4096xf32>
    %add3A_260 = arith.addf %concatenate3A_255, %add3A_259 : vector<64x4096xf32>
    %swap3A_261 = arith.constant 6 : index
    %swap3A_262 = arith.constant 0 : index
    %swap3A_263 = arith.constant 0 : index
    %swap3A_264 = vector.load %arg4[%swap3A_261, %swap3A_262, %swap3A_263] : memref<8x64x4096xf32, #tpu.memory_space<vmem>>, vector<1x64x4096xf32>
    %swap3A_265 = vector.shape_cast %swap3A_264 : vector<1x64x4096xf32> to vector<64x4096xf32>
    %swap3A_266 = vector.shape_cast %add3A_260 : vector<64x4096xf32> to vector<1x64x4096xf32>
    tpu.vector_store %arg4[%swap3A_261, %swap3A_262, %swap3A_263], %swap3A_266 {strides = array<i32>} : memref<8x64x4096xf32, #tpu.memory_space<vmem>>, vector<1x64x4096xf32>,
    %get3A_267 = arith.constant 7168 : index
    %get3A_268 = arith.constant 0 : index
    %get3A_269 = vector.load %arg1[%get3A_267, %get3A_268] : memref<8192x128xf32, #tpu.memory_space<vmem>>, vector<1024x128xf32>
    %slice3A_270 = vector.extract_strided_slice %get3A_269 {offsets = [0, 0], sizes = [1024, 32], strides = [1, 1]} : vector<1024x128xf32> to vector<1024x32xf32>
    %get3A_271 = arith.constant 0 : index
    %get3A_272 = arith.constant 0 : index
    %get3A_273 = vector.load %arg2[%get3A_271, %get3A_272] : memref<64x32xf32, #tpu.memory_space<vmem>>, vector<64x32xf32>
    %dot_general3A_274 = arith.constant dense<0.000000e+00> : vector<64x1024xf32>
    %dot_general3A_275 = tpu.matmul %get3A_273, %slice3A_270, %dot_general3A_274 {dimension_numbers = #tpu.dot_dimension_numbers<[1], [1], [0], [0], [0, 0, 1, 0], [], []>, transpose_lhs_hint = false} : vector<64x32xf32>, vector<1024x32xf32>, vector<64x1024xf32> -> vector<64x1024xf32>
    %slice3A_276 = vector.extract_strided_slice %get3A_269 {offsets = [0, 32], sizes = [1024, 32], strides = [1, 1]} : vector<1024x128xf32> to vector<1024x32xf32>
    %get3A_277 = arith.constant 0 : index
    %get3A_278 = arith.constant 0 : index
    %get3A_279 = vector.load %arg2[%get3A_277, %get3A_278] : memref<64x32xf32, #tpu.memory_space<vmem>>, vector<64x32xf32>
    %dot_general3A_280 = arith.constant dense<0.000000e+00> : vector<64x1024xf32>
    %dot_general3A_281 = tpu.matmul %get3A_279, %slice3A_276, %dot_general3A_280 {dimension_numbers = #tpu.dot_dimension_numbers<[1], [1], [0], [0], [0, 0, 1, 0], [], []>, transpose_lhs_hint = false} : vector<64x32xf32>, vector<1024x32xf32>, vector<64x1024xf32> -> vector<64x1024xf32>
    %slice3A_282 = vector.extract_strided_slice %get3A_269 {offsets = [0, 64], sizes = [1024, 32], strides = [1, 1]} : vector<1024x128xf32> to vector<1024x32xf32>
    %get3A_283 = arith.constant 0 : index
    %get3A_284 = arith.constant 0 : index
    %get3A_285 = vector.load %arg2[%get3A_283, %get3A_284] : memref<64x32xf32, #tpu.memory_space<vmem>>, vector<64x32xf32>
    %dot_general3A_286 = arith.constant dense<0.000000e+00> : vector<64x1024xf32>
    %dot_general3A_287 = tpu.matmul %get3A_285, %slice3A_282, %dot_general3A_286 {dimension_numbers = #tpu.dot_dimension_numbers<[1], [1], [0], [0], [0, 0, 1, 0], [], []>, transpose_lhs_hint = false} : vector<64x32xf32>, vector<1024x32xf32>, vector<64x1024xf32> -> vector<64x1024xf32>
    %slice3A_288 = vector.extract_strided_slice %get3A_269 {offsets = [0, 96], sizes = [1024, 32], strides = [1, 1]} : vector<1024x128xf32> to vector<1024x32xf32>
    %get3A_289 = arith.constant 0 : index
    %get3A_290 = arith.constant 0 : index
    %get3A_291 = vector.load %arg2[%get3A_289, %get3A_290] : memref<64x32xf32, #tpu.memory_space<vmem>>, vector<64x32xf32>
    %dot_general3A_292 = arith.constant dense<0.000000e+00> : vector<64x1024xf32>
    %dot_general3A_293 = tpu.matmul %get3A_291, %slice3A_288, %dot_general3A_292 {dimension_numbers = #tpu.dot_dimension_numbers<[1], [1], [0], [0], [0, 0, 1, 0], [], []>, transpose_lhs_hint = false} : vector<64x32xf32>, vector<1024x32xf32>, vector<64x1024xf32> -> vector<64x1024xf32>
    %concatenate3A_294 = tpu.concatenate %dot_general3A_275, %dot_general3A_281, %dot_general3A_287, %dot_general3A_293 in 1 : vector<64x1024xf32>, vector<64x1024xf32>, vector<64x1024xf32>, vector<64x1024xf32> -> vector<64x4096xf32>
    %get3A_295 = arith.constant 0 : index
    %get3A_296 = arith.constant 0 : index
    %get3A_297 = vector.load %arg3[%get3A_295, %get3A_296] : memref<64x1xf32, #tpu.memory_space<vmem>>, vector<64x1xf32>
    %add3A_298 = vector.broadcast %get3A_297 : vector<64x1xf32> to vector<64x4096xf32>
    %add3A_299 = arith.addf %concatenate3A_294, %add3A_298 : vector<64x4096xf32>
    %swap3A_300 = arith.constant 7 : index
    %swap3A_301 = arith.constant 0 : index
    %swap3A_302 = arith.constant 0 : index
    %swap3A_303 = vector.load %arg4[%swap3A_300, %swap3A_301, %swap3A_302] : memref<8x64x4096xf32, #tpu.memory_space<vmem>>, vector<1x64x4096xf32>
    %swap3A_304 = vector.shape_cast %swap3A_303 : vector<1x64x4096xf32> to vector<64x4096xf32>
    %swap3A_305 = vector.shape_cast %add3A_299 : vector<64x4096xf32> to vector<1x64x4096xf32>
    tpu.vector_store %arg4[%swap3A_300, %swap3A_301, %swap3A_302], %swap3A_305 {strides = array<i32>} : memref<8x64x4096xf32, #tpu.memory_space<vmem>>, vector<1x64x4096xf32>,
    return
  }
  func.func @transform_0(%arg0: i32) -> (i32, i32) {
    %c0_i32 = arith.constant 0 : i32
    %c0_i32_0 = arith.constant 0 : i32
    return %arg0, %c0_i32 : i32, i32
  }
  func.func @transform_1(%arg0: i32) -> (i32, i32) {
    %c0_i32 = arith.constant 0 : i32
    %c0_i32_0 = arith.constant 0 : i32
    %c0_i32_1 = arith.constant 0 : i32
    return %c0_i32, %c0_i32_0 : i32, i32
  }
  func.func @transform_2(%arg0: i32) -> (i32, i32) {
    %c0_i32 = arith.constant 0 : i32
    %c0_i32_0 = arith.constant 0 : i32
    %c0_i32_1 = arith.constant 0 : i32
    return %c0_i32, %c0_i32_0 : i32, i32
  }
  func.func @transform_3(%arg0: i32) -> (i32, i32, i32) {
    %c0_i32 = arith.constant 0 : i32
    %c0_i32_0 = arith.constant 0 : i32
    %c0_i32_1 = arith.constant 0 : i32
    return %arg0, %c0_i32, %c0_i32_0 : i32, i32, i32
  }
}

</mosaic_0001>

<sc_bundles>
// kernel: kernel.4.cloned.1.call-start
scs
__scs_entry_jumppad:
0x0: {  	(pc) =	sbr.rel $0x88, $3  }
0x1: {  	(tag) =	ssettag $0x0;
	lr =	simm.s32 $0x1  }
0x2: {  	[smem:$0x3F9D] =	sst lr;
	_ =	strace $0xD0000000  }
0x3: {  	_ = 	snop  }
0x4: {  	_ = 	snop  }
0x5: {  	_ = 	snop  }
0x6: {  	_ = 	snop  }
0x7: {  	_ = 	snop  }
__scs_overlays_trampoline_lowered:
0x8: {  	[smem:$0x3FAC] =	sst s0  }
0x9: {  	[smem:$0x3FAD] =	sst s1  }
0xa: {  	[smem:$0x3FAE] =	sst s2  }
0xb: {  	[smem:$0x3FAF] =	sst s3  }
0xc: {  	[smem:$0x3FB0] =	sst s4  }
0xd: {  	[smem:$0x3FB1] =	sst s5  }
0xe: {  	[smem:$0x3FB2] =	sst s6  }
0xf: {  	[smem:$0x3FB3] =	sst s7  }
0x10: {  	[smem:$0x3FB4] =	sst s8  }
0x11: {  	[smem:$0x3FB5] =	sst s9;
	s0 =	simm.s32 @!p0 $0x0  }
0x12: {  	s1 =	sld [smem:$0x3F9B];
	s0 =	simm.s32 @p0 $0x1  }
0x13: {  	[smem:$0x3FB6] =	sst s0;
	s0 =	simm.s32 @!p1 $0x0  }
0x14: {  	s2 =	sld [smem:$0x3F9A];
	s0 =	simm.s32 @p1 $0x1  }
0x15: {  	[smem:$0x3FB7] =	sst s0;
	s0 =	simm.s32 @!p2 $0x0  }
0x16: {  	s3 =	sld [smem:$0x3FDB];
	s0 =	simm.s32 @p2 $0x1  }
0x17: {  	s4 =	simm.s32 $0x1BF5;
	[smem:$0x3FB9] =	sst s0  }
0x18: {  	s0 =	sld [smem:$0x3F9C];
	_ =	swait.ge [sflag:s4], $0x0  }
0x19: {  	s7 =	sld [smem:$0x3F9D]  }
0x1a: {  	s8 =	sadd.s32 $0xFFFFE003, lr  }
0x1b: {  	s9 =	sadd.s32 $0xFFFFFEF7, lr;
	s5 =	simm.s32 $0xFFFFFFFF;
	p2 =	slt.u32 s8, $0xFFFFF086  }
0x1c: {  	p1 =	slt.u32 s9, $0xF7A;
	s5 =	simm.s32 @!p2 $0x0  }
0x1d: {  	s5 =	simm.s32 @p1 $0x1;
	p0 =	seq.s32 s7, s2  }
0x1e: {  	s7 =	smul.u32 @!p0 $0xF7A, s2;
	p2 =	seq.s32 @!p0 s5, $0x0  }
0x1f: {  	s9 =	smul.u32 $0xF7A, s1;
	s8 =	simm.s32 @!p0 $0x1BF5;
	p2 =	por !p2, p0  }
0x20: {  	[sflag:s8] =	ssyncset.s32 @!p0 $0xFFFFF086;
	s6 =	sadd.s32 @!p0 s3, s7;
	s7 =	simm.s32 @!p0 $0x108  }
0x21: {  	s3 =	sadd.s32 s3, s9;
	s6 =	sadd.s32 @!p0 $0x88, s6;
	s7 =	simm.s32 @p2 $0x1082  }
0x22: {  	[simem:s7], [sflag:s8] =	dma.local @!p0 [hbm:s6], $0xF7A  }
0x23: {  	s9 =	sor.u32 $0xD0000000, s2;
	s6 =	simm.s32 $0x108;
	_ =	swait.ge @!p0 [sflag:s8], $0x0  }
0x24: {  	s3 =	sadd.s32 $0x88, s3;
	s6 =	simm.s32 @!p1 $0x1082;
	[sflag:s4] =	ssyncset.s32 $0xFFFFF086  }
0x25: {  	[simem:s6], [sflag:s4] =	dma.local [hbm:s3], $0xF7A  }
0x26: {  	[smem:$0x3F9D] =	sst s1;
	(tag) =	ssettag s2;
	_ =	strace s9  }
0x27: {  	s1 =	sld [smem:$0x3FAD]  }
0x28: {  	s2 =	sld [smem:$0x3FAE]  }
0x29: {  	s4 =	sld [smem:$0x3FB0]  }
0x2a: {  	p0 =	seq.s32 s5, $0x0;
	s5 =	sld [smem:$0x3FB1]  }
0x2b: {  	s6 =	sld [smem:$0x3FB2]  }
0x2c: {  	s7 =	sld [smem:$0x3FB3]  }
0x2d: {  	s3 =	simm.s32 $0x108;
	s8 =	sld [smem:$0x3FB4]  }
0x2e: {  	s3 =	simm.s32 @!p0 $0x1082;
	s9 =	sld [smem:$0x3FB5]  }
0x2f: {  	lr =	sadd.s32 s0, s3;
	s0 =	sld [smem:$0x3FAC]  }
0x30: {  	s3 =	sld [smem:$0x3FAF]  }
0x31: {  	[smem:$0x3FB8] =	sst s10  }
0x32: {  	s10 =	sld [smem:$0x3FB6];
	_ =	sdelay $0x3  }
0x33: {  	p0 =	seq.s32 s10, $0x1;
	s10 =	sld [smem:$0x3FB8];
	_ =	sdelay $0x3  }
0x34: {  	[smem:$0x3FB8] =	sst s10  }
0x35: {  	s10 =	sld [smem:$0x3FB7];
	_ =	sdelay $0x3  }
0x36: {  	p1 =	seq.s32 s10, $0x1;
	s10 =	sld [smem:$0x3FB8];
	_ =	sdelay $0x3  }
0x37: {  	[smem:$0x3FB8] =	sst s10  }
0x38: {  	s10 =	sld [smem:$0x3FB9]  }
0x39: {  	_ = 	snop;
	(pc) =	sbr.ind lr, $3  }
0x3a: {  	_ = 	snop  }
0x3b: {  	_ = 	snop  }
0x3c: {  	p2 =	seq.s32 s10, $0x1;
	s10 =	sld [smem:$0x3FB8]  }
0x3d: {  	_ =	shalt  }
0x3e: {  	_ =	shalt  }
0x3f: {  	_ =	shalt  }
0x40: {  	_ =	shalt  }
0x41: {  	_ =	shalt  }
0x42: {  	_ =	shalt  }
0x43: {  	_ =	shalt  }
0x44: {  	_ =	shalt  }
0x45: {  	_ =	shalt  }
0x46: {  	_ =	shalt  }
0x47: {  	_ =	shalt  }
0x48: {  	_ =	shalt  }
0x49: {  	_ =	shalt  }
0x4a: {  	_ =	shalt  }
0x4b: {  	_ =	shalt  }
0x4c: {  	_ =	shalt  }
0x4d: {  	_ =	shalt  }
0x4e: {  	_ =	shalt  }
0x4f: {  	_ =	shalt  }
0x50: {  	_ =	shalt  }
0x51: {  	_ =	shalt  }
0x52: {  	_ =	shalt  }
0x53: {  	_ =	shalt  }
0x54: {  	_ =	shalt  }
0x55: {  	_ =	shalt  }
0x56: {  	_ =	shalt  }
0x57: {  	_ =	shalt  }
0x58: {  	_ =	shalt  }
0x59: {  	_ =	shalt  }
0x5a: {  	_ =	shalt  }
0x5b: {  	_ =	shalt  }
0x5c: {  	_ =	shalt  }
0x5d: {  	_ =	shalt  }
0x5e: {  	_ =	shalt  }
0x5f: {  	_ =	shalt  }
0x60: {  	_ =	shalt  }
0x61: {  	_ =	shalt  }
0x62: {  	_ =	shalt  }
0x63: {  	_ =	shalt  }
0x64: {  	_ =	shalt  }
0x65: {  	_ =	shalt  }
0x66: {  	_ =	shalt  }
0x67: {  	_ =	shalt  }
0x68: {  	_ =	shalt  }
0x69: {  	_ =	shalt  }
0x6a: {  	_ =	shalt  }
0x6b: {  	_ =	shalt  }
0x6c: {  	_ =	shalt  }
0x6d: {  	_ =	shalt  }
0x6e: {  	_ =	shalt  }
0x6f: {  	_ =	shalt  }
0x70: {  	_ =	shalt  }
0x71: {  	_ =	shalt  }
0x72: {  	_ =	shalt  }
0x73: {  	_ =	shalt  }
0x74: {  	_ =	shalt  }
0x75: {  	_ =	shalt  }
0x76: {  	_ =	shalt  }
0x77: {  	_ =	shalt  }
0x78: {  	_ =	shalt  }
0x79: {  	_ =	shalt  }
0x7a: {  	_ =	shalt  }
0x7b: {  	_ =	shalt  }
0x7c: {  	_ =	shalt  }
0x7d: {  	_ =	shalt  }
0x7e: {  	_ =	shalt  }
0x7f: {  	_ =	shalt  }
0x80: {  	_ =	shalt  }
0x81: {  	_ =	shalt  }
0x82: {  	_ =	shalt  }
0x83: {  	_ =	shalt  }
0x84: {  	_ =	shalt  }
0x85: {  	_ =	shalt  }
0x86: {  	_ =	shalt  }
0x87: {  	_ =	shalt  }
.Lfunc_end0:
.L_simem_size_0:
called_computation_lowered:
.L_overlay_start_0:
0x88: {  	s2 =	sld [smem:$0x3FD9]  }
0x89: {  	s3 =	sld [smem:$0x3FFE];
	_ =	sdelay $0x1  }
0x8a: {  	s1 =	srdreg.scid  }
0x8b: {  	s0 =	sand.u32 $0x1, s1  }
0x8c: {  	s17 =	sshll.u32 s0, $0xA;
	s2 =	sadd.s32 s3, s2  }
0x8d: {  	s2 =	sadd.s32 s2, s17  }
0x8e: {  	[smem:$0x3FC4] =	sst s2  }
0x8f: {  	_ = 	snop  }
0x90: {  	s2 =	sld [smem:$0x3FD0];
	(tm) =	ssettm $0x1  }
0x91: {  	s18 =	sld [smem:$0x3FFB];
	_ =	sdelay $0x3  }
0x92: {  	_ =	strace s18  }
0x93: {  	s3 =	sld [smem:$0x3FFC];
	_ =	sdelay $0x3  }
0x94: {  	_ =	strace s3  }
0x95: {  	s3 =	sld [smem:$0x3FFD];
	_ =	sdelay $0x3  }
0x96: {  	_ =	strace s3  }
0x97: {  	_ =	strace $0x8FFFFFFF  }
0x98: {  	s19 =	sld [smem:$0x3FDB];
	_ =	sdelay $0x1  }
0x99: {  	s4 =	simm.s32 $_scs_section_size  }
0x9a: {  	s5 =	simm.s32 $_size__tile_overlayer_lowered;
	s6 =	simm.s32 $_tile_overlayer_lowered  }
0x9b: {  	s22 =	simm.s32 $0x1BFF;
	s21 =	sshll.u32 s6, $0x1;
	s3 =	sadd.s32 s4, s19  }
0x9c: {  	s7 =	simm.s32 $0x0;
	s20 =	sshll.u32 s5, $0x1;
	s5 =	sadd.s32 s21, s3  }
0x9d: {  	[timem:s7], [sflag:s22] =	dma.local [hbm:s5], s20  }
0x9e: {  	_ =	swait.ge [sflag:s22], s20  }
0x9f: {  	s4 =	ssub.s32 $0x0, s20;
	[sflag:s22] =	ssyncset.done $0x0  }
0xa0: {  	[sflag:s22] =	ssyncadd.s32 s4;
	_ =	sdelay $0x1  }
0xa1: {  	s23 =	simm.s32 $0x1B8B  }
0xa2: {  	_ =	swait.ge [sflag:s23], $0x1  }
0xa3: {  	[sflag:s23] =	ssyncset.done $0x0  }
0xa4: {  	s25 =	simm.s32 $0x1B8E;
	s24 =	sld [smem:$0x3FFE];
	[sflag:s23] =	ssyncadd.s32 $0xFFFFFFFF  }
0xa5: {  	s26 =	simm.s32 $execute0_lowered;
	[smem:$0x3FD2] =	sst s25  }
0xa6: {  	s5 =	sshll.u32 s26, $0x1;
	_ =	strace $0x80000046;
	[dreg:$0x1] =	wrdreg $0xFFFFFFFF  }
0xa7: {  	s28 =	simm.s32 $_size_execute0_lowered;
	s3 =	sadd.s32 s3, s5;
	[dreg:$0x0] =	wrdreg $0x0  }
0xa8: {  	s5 =	sshll.u32 s28, $0x1;
	[dreg:$0x2] =	wrdreg s3  }
0xa9: {  	[dreg:$0x3] =	wrdreg s5  }
0xaa: {  	[dreg:$0x4] =	wrdreg $0xC0  }
0xab: {  	_ =	task [dreg:s7], $0x5FFFF  }
0xac: {  	[dreg:$0x1] =	wrdreg $0xFFFFFFFF  }
0xad: {  	[dreg:$0x0] =	wrdreg $0x60  }
0xae: {  	[dreg:$0x2] =	wrdreg s2  }
0xaf: {  	[dreg:$0x3] =	wrdreg s24  }
0xb0: {  	[dreg:$0x4] =	wrdreg $0x9  }
0xb1: {  	_ =	task.clear_ibuf [dreg:s7], $0x5FFFF;
	_ =	strace $0x90000046  }
0xb2: {  	s29 =	simm.s32 $0x9;
	_ =	strace $0x80000048  }
0xb3: {  	_ =	swait.ge [sflag:s29], $0x1  }
0xb4: {  	[sflag:s29] =	ssyncadd.s32 $0xFFFFFFFF  }
0xb5: {  	_ =	strace $0x90000048  }
0xb6: {  	_ =	sfence  }
0xb7: {  	s30 =	sld [smem:$0x0];
	_ =	sdelay $0x2  }
0xb8: {  	s31 =	sshll.u32 s1, $0xD;
	s1 =	sshrl.u32 s1, $0x2  }
0xb9: {  	s3 =	sand.u32 $0x4000, s31;
	s1 =	sadd.s32 s1, s30  }
0xba: {  	s0 =	sor.u32 s3, s0;
	s1 =	sshll.u32 s1, $0x11  }
0xbb: {  	s0 =	sor.u32 s1, s0  }
0xbc: {  	s0 =	sadd.s32 $0x8F2B, s0  }
0xbd: {  	[sflag:s0] =	ssyncadd.remote.s32 $0x1  }
0xbe: {  	_ =	sfence.sel $0xFFFF  }
0xbf: {  	[dreg:$0x0] =	wrdreg $0xFFFFFFFF;
	(pc) =	sbr.abs _section_cstart, $3  }
0xc0: {  	[dreg:$0x1] =	wrdreg $0xFFFFFFFF  }
0xc1: {  	_ =	task.clear_ibuf [dreg:s7], $0x2FFFF;
	_ =	strace $0x9FFFFFFF  }
0xc2: {  	(tm) =	ssettm $0x7FFFFFFF  }
0xc3: {  	_ =	shalt  }
tec
execute0_lowered:
.L_overlay_start_1:
0x0: {  	(tag) =	ssettag $0x1  }
0x1: {  	s2 =	rddreg [dreg:$0x0]  }
0x2: {  	s4 =	rddreg [dreg:$0x1]  }
0x3: {  	s0 =	rddreg [dreg:$0x2]  }
0x4: {  	s1 =	stileid.u32;
	s6 =	srdreg.scid  }
0x5: {  	s3 =	simm.s32 $0x0;
	s10 =	simm.s32 $0x1400;
	s11 =	simm.s32 $0x100  }
0x6: {  	s12 =	simm.s32 $0x2400;
	s13 =	simm.s32 $0x180;
	s14 =	simm.s32 $0x3400  }
0x7: {  	s15 =	simm.s32 $0x200;
	s16 =	simm.s32 $0x4400;
	s17 =	simm.s32 $0x280  }
0x8: {  	s18 =	simm.s32 $0x5400;
	s19 =	simm.s32 $0x300;
	s20 =	simm.s32 $0x6400  }
0x9: {  	s21 =	simm.s32 $0x380;
	s22 =	simm.s32 $0x7400;
	s5 =	smul.u32 $0x1900, s1  }
0xa: {  	s23 =	simm.s32 $0x1;
	s7 =	smul.u32 $0x32000, s1;
	s6 =	sand.u32 $0x1, s6  }
0xb: {  	s24 =	simm.s32 $0x0;
	[smem:$0x7FF] =	sst s3;
	s8 =	smul.u32 $0x19000, s6  }
0xc: {  	_ =	strace $0x80000047;
	s9 =	ssub.s32 $0x2, s6;
	s6 =	smul.u32 $0xC80, s6  }
0xd: {  	s5 =	sadd.s32 s5, s4;
	s4 =	sadd.s32 s7, s4;
	s31 =	sshrl.u32 s9, $0x1  }
0xe: {  	s7 =	ssub.s32 s9, s31;
	s8 =	sadd.s32 s8, s4;
	s6 =	sadd.s32 s6, s5  }
0xf: {  	s9 =	simm.s32 $0x400;
	s4 =	smax.u32 s7, $0x1;
	s5 =	sadd.s32 $0xA00, s8  }
0x10: {  	s6 =	sadd.s32 $0x320A00, s6;
	s7 =	simm.s32 $0x2;
	s8 =	simm.s32 $0x80  }
.LBB2_1:
0x11: {  	s25 =	sadd.s32 $0x0, s6  }
0x12: {  	[tilespmem:s3], [sflag:$0x2] =	stream.linear.gather [hbm4b:s25+s3], $0x400, $0x38;
	[tilespmem:$0x8400] =	vst v63  }
0x13: {  	_ =	swait.ge [sflag:s7], $0x400  }
0x14: {  	[sflag:s7] =	ssyncset.done $0x0  }
0x15: {  	[sflag:s7] =	ssyncadd.s32 $0xFFFFFC00  }
0x16: {  	[tilespmem:s9], [sflag:$0x1] =	stream.indirect.gather [hbm4b:s2+s8], $0x20, s3, s8, $0xb8;
	[tilespmem:$0x8400] =	vst v63  }
0x17: {  	_ = 	snop  }
0x18: {  	[tilespmem:s10], [sflag:$0x1] =	stream.indirect.gather [hbm4b:s2+s8], $0x20, s8, s8, $0xb8;
	[tilespmem:$0x8400] =	vst v63  }
0x19: {  	_ = 	snop  }
0x1a: {  	[tilespmem:s12], [sflag:$0x1] =	stream.indirect.gather [hbm4b:s2+s8], $0x20, s11, s8, $0xb8;
	[tilespmem:$0x8400] =	vst v63  }
0x1b: {  	_ = 	snop  }
0x1c: {  	[tilespmem:s14], [sflag:$0x1] =	stream.indirect.gather [hbm4b:s2+s8], $0x20, s13, s8, $0xb8;
	[tilespmem:$0x8400] =	vst v63  }
0x1d: {  	_ = 	snop  }
0x1e: {  	[tilespmem:s16], [sflag:$0x1] =	stream.indirect.gather [hbm4b:s2+s8], $0x20, s15, s8, $0xb8;
	[tilespmem:$0x8400] =	vst v63  }
0x1f: {  	_ = 	snop  }
0x20: {  	[tilespmem:s18], [sflag:$0x1] =	stream.indirect.gather [hbm4b:s2+s8], $0x20, s17, s8, $0xb8;
	[tilespmem:$0x8400] =	vst v63  }
0x21: {  	_ = 	snop  }
0x22: {  	[tilespmem:s20], [sflag:$0x1] =	stream.indirect.gather [hbm4b:s2+s8], $0x20, s19, s8, $0xb8;
	[tilespmem:$0x8400] =	vst v63  }
0x23: {  	_ = 	snop  }
0x24: {  	[tilespmem:s22], [sflag:$0x1] =	stream.indirect.gather [hbm4b:s2+s8], $0x20, s21, s8, $0xb8;
	[tilespmem:$0x8400] =	vst v63  }
0x25: {  	_ =	swait.ge [sflag:s23], $0x1000  }
0x26: {  	[sflag:s23] =	ssyncset.done $0x0  }
0x27: {  	[sflag:s23] =	ssyncadd.s32 $0xFFFFF000  }
0x28: {  	_ =	swait.ge [sflag:s23], $0x1000  }
0x29: {  	[sflag:s23] =	ssyncset.done $0x0  }
0x2a: {  	[sflag:s23] =	ssyncadd.s32 $0xFFFFF000  }
0x2b: {  	_ =	swait.ge [sflag:s23], $0x1000  }
0x2c: {  	[sflag:s23] =	ssyncset.done $0x0  }
0x2d: {  	[sflag:s23] =	ssyncadd.s32 $0xFFFFF000  }
0x2e: {  	_ =	swait.ge [sflag:s23], $0x1000  }
0x2f: {  	[sflag:s23] =	ssyncset.done $0x0  }
0x30: {  	[sflag:s23] =	ssyncadd.s32 $0xFFFFF000  }
0x31: {  	_ =	swait.ge [sflag:s23], $0x1000  }
0x32: {  	[sflag:s23] =	ssyncset.done $0x0  }
0x33: {  	[sflag:s23] =	ssyncadd.s32 $0xFFFFF000  }
0x34: {  	_ =	swait.ge [sflag:s23], $0x1000  }
0x35: {  	[sflag:s23] =	ssyncset.done $0x0  }
0x36: {  	[sflag:s23] =	ssyncadd.s32 $0xFFFFF000  }
0x37: {  	_ =	swait.ge [sflag:s23], $0x1000  }
0x38: {  	[sflag:s23] =	ssyncset.done $0x0  }
0x39: {  	[sflag:s23] =	ssyncadd.s32 $0xFFFFF000  }
0x3a: {  	_ =	swait.ge [sflag:s23], $0x1000  }
0x3b: {  	[sflag:s23] =	ssyncset.done $0x0  }
0x3c: {  	[sflag:s23] =	ssyncadd.s32 $0xFFFFF000  }
0x3d: {  	[hbm4b:s5+s3] =	stream.linear.scatter [tilespmem:s9], [sflag:$0x2], $0x8000, $0x38;
	[tilespmem:$0x8400] =	vst v63  }
0x3e: {  	s26 =	simm.s32 $0x80;
	_ =	swait.ge [sflag:s7], $0x8000  }
0x3f: {  	s29 =	simm.s32 $0x100;
	s25 =	sadd.s32 $0x1000, s5;
	[sflag:s7] =	ssyncset.done $0x0  }
.LBB2_2:
0x40: {  	s30 =	sadd.s32 s26, s6  }
0x41: {  	[sflag:s7] =	ssyncadd.s32 $0xFFFF8000;
	s26 =	smov.u32 s29;
	s28 =	sadd.s32 $0x80, s29  }
0x42: {  	[tilespmem:s3], [sflag:$0x2] =	stream.linear.gather [hbm4b:s30+s3], $0x400, $0x38;
	[tilespmem:$0x8400] =	vst v63  }
0x43: {  	p0 =	sne.s32 s29, $0xC00;
	_ =	swait.ge [sflag:s7], $0x400  }
0x44: {  	[sflag:s7] =	ssyncset.done $0x0  }
0x45: {  	[sflag:s7] =	ssyncadd.s32 $0xFFFFFC00  }
0x46: {  	[tilespmem:s9], [sflag:$0x1] =	stream.indirect.gather [hbm4b:s2+s8], $0x20, s3, s8, $0xb8;
	[tilespmem:$0x8400] =	vst v63  }
0x47: {  	_ = 	snop  }
0x48: {  	[tilespmem:s10], [sflag:$0x1] =	stream.indirect.gather [hbm4b:s2+s8], $0x20, s8, s8, $0xb8;
	[tilespmem:$0x8400] =	vst v63  }
0x49: {  	_ = 	snop  }
0x4a: {  	[tilespmem:s12], [sflag:$0x1] =	stream.indirect.gather [hbm4b:s2+s8], $0x20, s11, s8, $0xb8;
	[tilespmem:$0x8400] =	vst v63  }
0x4b: {  	_ = 	snop  }
0x4c: {  	[tilespmem:s14], [sflag:$0x1] =	stream.indirect.gather [hbm4b:s2+s8], $0x20, s13, s8, $0xb8;
	[tilespmem:$0x8400] =	vst v63  }
0x4d: {  	_ = 	snop  }
0x4e: {  	[tilespmem:s16], [sflag:$0x1] =	stream.indirect.gather [hbm4b:s2+s8], $0x20, s15, s8, $0xb8;
	[tilespmem:$0x8400] =	vst v63  }
0x4f: {  	_ = 	snop  }
0x50: {  	[tilespmem:s18], [sflag:$0x1] =	stream.indirect.gather [hbm4b:s2+s8], $0x20, s17, s8, $0xb8;
	[tilespmem:$0x8400] =	vst v63  }
0x51: {  	_ = 	snop  }
0x52: {  	[tilespmem:s20], [sflag:$0x1] =	stream.indirect.gather [hbm4b:s2+s8], $0x20, s19, s8, $0xb8;
	[tilespmem:$0x8400] =	vst v63  }
0x53: {  	_ = 	snop  }
0x54: {  	[tilespmem:s22], [sflag:$0x1] =	stream.indirect.gather [hbm4b:s2+s8], $0x20, s21, s8, $0xb8;
	[tilespmem:$0x8400] =	vst v63  }
0x55: {  	_ =	swait.ge [sflag:s23], $0x1000  }
0x56: {  	[sflag:s23] =	ssyncset.done $0x0  }
0x57: {  	[sflag:s23] =	ssyncadd.s32 $0xFFFFF000  }
0x58: {  	_ =	swait.ge [sflag:s23], $0x1000  }
0x59: {  	[sflag:s23] =	ssyncset.done $0x0  }
0x5a: {  	[sflag:s23] =	ssyncadd.s32 $0xFFFFF000  }
0x5b: {  	_ =	swait.ge [sflag:s23], $0x1000  }
0x5c: {  	[sflag:s23] =	ssyncset.done $0x0  }
0x5d: {  	[sflag:s23] =	ssyncadd.s32 $0xFFFFF000  }
0x5e: {  	_ =	swait.ge [sflag:s23], $0x1000  }
0x5f: {  	[sflag:s23] =	ssyncset.done $0x0  }
0x60: {  	[sflag:s23] =	ssyncadd.s32 $0xFFFFF000  }
0x61: {  	_ =	swait.ge [sflag:s23], $0x1000  }
0x62: {  	[sflag:s23] =	ssyncset.done $0x0  }
0x63: {  	[sflag:s23] =	ssyncadd.s32 $0xFFFFF000  }
0x64: {  	_ =	swait.ge [sflag:s23], $0x1000  }
0x65: {  	[sflag:s23] =	ssyncset.done $0x0  }
0x66: {  	[sflag:s23] =	ssyncadd.s32 $0xFFFFF000  }
0x67: {  	_ =	swait.ge [sflag:s23], $0x1000  }
0x68: {  	[sflag:s23] =	ssyncset.done $0x0  }
0x69: {  	[sflag:s23] =	ssyncadd.s32 $0xFFFFF000  }
0x6a: {  	_ =	swait.ge [sflag:s23], $0x1000  }
.Ltmp0:
0x6b: {  	[sflag:s23] =	ssyncset.done $0x0;
	(pc) =	sbr.rel @p0 .LBB2_2-.Ltmp0, $4  }
0x6c: {  	[sflag:s23] =	ssyncadd.s32 $0xFFFFF000  }
0x6d: {  	[hbm4b:s25+s3] =	stream.linear.scatter [tilespmem:s9], [sflag:$0x2], $0x8000, $0x38;
	[tilespmem:$0x8400] =	vst v63  }
0x6e: {  	_ =	swait.ge [sflag:s7], $0x8000  }
0x6f: {  	s29 =	smov.u32 s28;
	s25 =	sadd.s32 $0x1000, s25;
	[sflag:s7] =	ssyncset.done $0x0  }
0x70: {  	s26 =	sadd.s32 s26, s6;
	[sflag:s7] =	ssyncadd.s32 $0xFFFF8000  }
0x71: {  	[tilespmem:s3], [sflag:$0x2] =	stream.linear.gather [hbm4b:s26+s3], $0x400, $0x38;
	[tilespmem:$0x8400] =	vst v63  }
0x72: {  	_ =	swait.ge [sflag:s7], $0x400  }
0x73: {  	[sflag:s7] =	ssyncset.done $0x0  }
0x74: {  	[sflag:s7] =	ssyncadd.s32 $0xFFFFFC00  }
0x75: {  	[tilespmem:s9], [sflag:$0x1] =	stream.indirect.gather [hbm4b:s2+s8], $0x20, s3, s8, $0xb8;
	[tilespmem:$0x8400] =	vst v63  }
0x76: {  	_ = 	snop  }
0x77: {  	[tilespmem:s10], [sflag:$0x1] =	stream.indirect.gather [hbm4b:s2+s8], $0x20, s8, s8, $0xb8;
	[tilespmem:$0x8400] =	vst v63  }
0x78: {  	_ = 	snop  }
0x79: {  	[tilespmem:s12], [sflag:$0x1] =	stream.indirect.gather [hbm4b:s2+s8], $0x20, s11, s8, $0xb8;
	[tilespmem:$0x8400] =	vst v63  }
0x7a: {  	_ = 	snop  }
0x7b: {  	[tilespmem:s14], [sflag:$0x1] =	stream.indirect.gather [hbm4b:s2+s8], $0x20, s13, s8, $0xb8;
	[tilespmem:$0x8400] =	vst v63  }
0x7c: {  	_ = 	snop  }
0x7d: {  	[tilespmem:s16], [sflag:$0x1] =	stream.indirect.gather [hbm4b:s2+s8], $0x20, s15, s8, $0xb8;
	[tilespmem:$0x8400] =	vst v63  }
0x7e: {  	_ = 	snop  }
0x7f: {  	[tilespmem:s18], [sflag:$0x1] =	stream.indirect.gather [hbm4b:s2+s8], $0x20, s17, s8, $0xb8;
	[tilespmem:$0x8400] =	vst v63  }
0x80: {  	_ = 	snop  }
0x81: {  	[tilespmem:s20], [sflag:$0x1] =	stream.indirect.gather [hbm4b:s2+s8], $0x20, s19, s8, $0xb8;
	[tilespmem:$0x8400] =	vst v63  }
0x82: {  	_ = 	snop  }
0x83: {  	[tilespmem:s22], [sflag:$0x1] =	stream.indirect.gather [hbm4b:s2+s8], $0x20, s21, s8, $0xb8;
	[tilespmem:$0x8400] =	vst v63  }
0x84: {  	_ =	swait.ge [sflag:s23], $0x1000  }
0x85: {  	[sflag:s23] =	ssyncset.done $0x0  }
0x86: {  	[sflag:s23] =	ssyncadd.s32 $0xFFFFF000  }
0x87: {  	_ =	swait.ge [sflag:s23], $0x1000  }
0x88: {  	[sflag:s23] =	ssyncset.done $0x0  }
0x89: {  	[sflag:s23] =	ssyncadd.s32 $0xFFFFF000  }
0x8a: {  	_ =	swait.ge [sflag:s23], $0x1000  }
0x8b: {  	[sflag:s23] =	ssyncset.done $0x0  }
0x8c: {  	[sflag:s23] =	ssyncadd.s32 $0xFFFFF000  }
0x8d: {  	_ =	swait.ge [sflag:s23], $0x1000  }
0x8e: {  	[sflag:s23] =	ssyncset.done $0x0  }
0x8f: {  	[sflag:s23] =	ssyncadd.s32 $0xFFFFF000  }
0x90: {  	_ =	swait.ge [sflag:s23], $0x1000  }
0x91: {  	[sflag:s23] =	ssyncset.done $0x0  }
0x92: {  	[sflag:s23] =	ssyncadd.s32 $0xFFFFF000  }
0x93: {  	_ =	swait.ge [sflag:s23], $0x1000  }
0x94: {  	[sflag:s23] =	ssyncset.done $0x0  }
0x95: {  	[sflag:s23] =	ssyncadd.s32 $0xFFFFF000  }
0x96: {  	_ =	swait.ge [sflag:s23], $0x1000  }
0x97: {  	[sflag:s23] =	ssyncset.done $0x0  }
0x98: {  	[sflag:s23] =	ssyncadd.s32 $0xFFFFF000  }
0x99: {  	s24 =	sadd.s32 $0x1, s24;
	_ =	swait.ge [sflag:s23], $0x1000  }
0x9a: {  	p0 =	sne.s32 s24, s4;
	[sflag:s23] =	ssyncset.done $0x0  }
.Ltmp1:
0x9b: {  	[sflag:s23] =	ssyncadd.s32 $0xFFFFF000;
	(pc) =	sbr.rel @p0 .LBB2_1-.Ltmp1, $4  }
0x9c: {  	[hbm4b:s25+s3] =	stream.linear.scatter [tilespmem:s9], [sflag:$0x2], $0x8000, $0x38;
	[tilespmem:$0x8400] =	vst v63  }
0x9d: {  	_ =	swait.ge [sflag:s7], $0x8000  }
0x9e: {  	[sflag:s7] =	ssyncset.done $0x0  }
0x9f: {  	[sflag:s7] =	ssyncadd.s32 $0xFFFF8000  }
0xa0: {  	_ =	sfence.sel $0x180000  }
0xa1: {  	[bflag:$0x0] =	sbarrier.arrive $0xFFFF  }
0xa2: {  	p0 =	sne.s32 s1, $0x0;
	_ =	strace $0x90000047  }
0xa3: {  	s0 =	sadd.s32 @!p0 $0x100000, s0;
	[bflag:$0x2] =	sbarrier.arrive $0xFFFF  }
0xa4: {  	[sflag:s0] =	ssyncadd.tile.s32 @!p0 $0x1;
	_ =	shalt  }
.Lfunc_end2:
_tile_overlayer_lowered:
.L_overlay_start_2:
0xa5: {  	(tag) =	ssettag $0x2  }
0xa6: {  	s0 =	rddreg [dreg:$0x0];
	s2 =	stileid.u32  }
0xa7: {  	s1 =	rddreg [dreg:$0x1];
	p0 =	sne.s32 s2, $0x0  }
0xa8: {  	s3 =	rddreg [dreg:$0x2];
	[bflag:$0x3] =	sbarrier.arrive $0xFFFF;
	s2 =	simm.s32 @!p0 $0x1C02  }
0xa9: {  	[timem:s3], [sflag:s2] =	dma.local @!p0 [hbm:s0], s1  }
0xaa: {  	s0 =	simm.s32 @!p0 $0x2  }
0xab: {  	_ =	swait.ge @!p0 [sflag:s0], s1  }
0xac: {  	s1 =	ssub.s32 @!p0 $0x0, s1;
	[sflag:s0] =	ssyncset.done @!p0 $0x0  }
0xad: {  	[sflag:s0] =	ssyncadd.s32 @!p0 s1  }
0xae: {  	[bflag:$0x3] =	sbarrier.arrive $0xFFFF  }
0xaf: {  	_ =	shalt  }

</sc_bundles>
